<compile_context>
chip_gen: v7x
topology: tpu7x:2x2x1
jax: 0.10.2.dev20260603
libtpu: 0.0.44.dev20260713+nightly
codegen_flags: <defaults>
</compile_context>

<pallas_src>
import functools

import jax
import jax.numpy as jnp
from jax import lax
from jax.experimental import pallas as pl
from jax.experimental.pallas import tpu as pltpu
from jax.experimental.pallas import tpu_sc as plsc

_NEG_POS_RATIO = 3


def _dense_kernel(nchunk, chunk, conf_ref, pred_ref, gt_ref, lab_ref, low_ref,
                  key_ref, cep_ref, kneg_ref, scal_ref,
                  npos_acc, sl1_acc, cepos_acc):
    b, c_cls, _ = conf_ref.shape
    c = pl.program_id(0)

    @pl.when(c == 0)
    def _init():
        npos_acc[:, :] = jnp.zeros_like(npos_acc)
        sl1_acc[:, :] = jnp.zeros_like(sl1_acc)
        cepos_acc[:, :] = jnp.zeros_like(cepos_acc)

    x = conf_ref[:, :, :]
    lab = lab_ref[:, pl.ds(c * chunk, chunk)]
    low = low_ref[:, pl.ds(c * chunk, chunk)]
    e = jnp.exp(x)
    lse = jnp.log(jnp.sum(e, axis=1))
    cls_iota = lax.broadcasted_iota(jnp.int32, (b, c_cls, chunk), 1)
    onehot = cls_iota == lab[:, None, :]
    x_lab = jnp.sum(jnp.where(onehot, x, 0.0), axis=1)
    bg = lse - x[:, 0, :]
    ce = lse - x_lab

    pos = lab > 0
    excl = pos | (low > 0)
    key = jnp.where(excl, jnp.int32(-1),
                    lax.bitcast_convert_type(bg, jnp.int32))
    cep = jnp.where(pos, -ce, ce)
    for j in range(chunk // 128):
        key_ref[:, j, :] = key[:, j * 128:(j + 1) * 128]
        cep_ref[:, j, :] = cep[:, j * 128:(j + 1) * 128]

    npos_acc[:, :] += pos.astype(jnp.int32)
    cepos_acc[:, :] += jnp.where(pos, ce, 0.0)

    d = pred_ref[:, :, :] - gt_ref[:, :, :]
    ad = jnp.abs(d)
    sl1 = jnp.where(ad < 1.0, 0.5 * ad * ad, ad - 0.5)
    sl1_acc[:, :] += jnp.sum(sl1, axis=1) * pos.astype(jnp.float32)

    @pl.when(c == nchunk - 1)
    def _finalize():
        npos_row = jnp.sum(npos_acc[:, :], axis=1, keepdims=True)
        k = npos_row * _NEG_POS_RATIO
        lane = lax.broadcasted_iota(jnp.int32, kneg_ref.shape, 1)
        kneg_ref[:, :] = jnp.where(lane == 0, k, 0)
        scal_ref[0, 0] = jnp.sum(sl1_acc[:, :])
        scal_ref[0, 1] = jnp.sum(cepos_acc[:, :])
        scal_ref[0, 2] = jnp.sum(npos_row).astype(jnp.float32)


def _sc_mine_body(p_total, nrows, key_hbm, cep_hbm, kneg_hbm, out_hbm,
                  key_v, cep_v, kneg_v, out_v, tmp_i, tmp_f):
    nseg = p_total // 16
    wid = lax.axis_index("s") * 2 + lax.axis_index("c")

    @pl.when(wid < nrows)
    def _row():
        _sc_mine_row(p_total, nseg, wid, key_hbm, cep_hbm, kneg_hbm, out_hbm,
                     key_v, cep_v, kneg_v, out_v, tmp_i, tmp_f)


def _sc_mine_row(p_total, nseg, wid, key_hbm, cep_hbm, kneg_hbm, out_hbm,
                 key_v, cep_v, kneg_v, out_v, tmp_i, tmp_f):
    pltpu.sync_copy(cep_hbm.at[wid], cep_v)
    pltpu.sync_copy(kneg_hbm.at[wid], kneg_v)
    lane = jnp.arange(16, dtype=jnp.int32)

    def lane_total(x, tmp):
        for step in (8, 4, 2, 1):
            tmp[pl.ds(0, 16)] = x
            x = x + plsc.load_gather(tmp, [lane ^ step])
        return x

    k = lane_total(kneg_v[pl.ds(0, 16)], tmp_i)

    def seg(ref, i):
        return ref[i // 8, pl.ds((i % 8) * 16, 16)]

    def _fast():
        def body(i, acc):
            return acc + jnp.maximum(seg(cep_v, i), 0.0)
        return lax.fori_loop(0, nseg, body, jnp.zeros(16, jnp.float32))

    def _slow():
        pltpu.sync_copy(key_hbm.at[wid], key_v)

        def count_ge(t):
            def body(i, cnt):
                return cnt + jnp.where(seg(key_v, i) >= t, 1, 0)
            return lane_total(
                lax.fori_loop(0, nseg, body, jnp.zeros(16, jnp.int32)), tmp_i)

        def vbit(i, v):
            cand = v | lax.shift_left(jnp.full(16, 1, jnp.int32), 30 - i)
            return jnp.where(count_ge(cand) >= k, cand, v)
        v = lax.fori_loop(0, 31, vbit, jnp.zeros(16, jnp.int32))
        vstar = jnp.where(count_ge(v) >= k, v, -1)

        def gt_body(i, cnt):
            return cnt + jnp.where(seg(key_v, i) > vstar, 1, 0)
        cgt = lane_total(
            lax.fori_loop(0, nseg, gt_body, jnp.zeros(16, jnp.int32)), tmp_i)
        remaining = k - cgt

        def count_eq_before(mlim):
            def body(i, cnt):
                col = i * 16 + lane
                hit = (seg(key_v, i) == vstar) & (col < mlim)
                return cnt + jnp.where(hit, 1, 0)
            return lane_total(
                lax.fori_loop(0, nseg, body, jnp.zeros(16, jnp.int32)), tmp_i)

        def mbit(i, mm):
            cand = mm | lax.shift_left(jnp.full(16, 1, jnp.int32), 16 - i)
            return jnp.where(count_eq_before(cand) < remaining, cand, mm)
        mm = lax.fori_loop(0, 17, mbit, jnp.zeros(16, jnp.int32))
        mstar = jnp.where(remaining > 0, mm + 1, 0)

        def sum_body(i, acc):
            kc = seg(key_v, i)
            col = i * 16 + lane
            sel = (kc > vstar) | ((kc == vstar) & (col < mstar))
            return acc + jnp.where(sel, jnp.maximum(seg(cep_v, i), 0.0), 0.0)
        return lax.fori_loop(0, nseg, sum_body, jnp.zeros(16, jnp.float32))

    acc = lax.cond(jnp.all(k >= p_total), _fast, _slow)
    out_v[pl.ds(0, 16)] = lane_total(acc, tmp_f)
    pltpu.sync_copy(out_v, out_hbm.at[wid])


def kernel(confidence, predicted_locations, labels, labels_low, gt_locations):
    b, p, c_cls = confidence.shape
    chunk = min(2048, p)
    nchunk = p // chunk
    conf_t = jnp.transpose(confidence, (0, 2, 1))
    pred_t = jnp.transpose(predicted_locations, (0, 2, 1))
    gt_t = jnp.transpose(gt_locations, (0, 2, 1))
    lab = labels.astype(jnp.int32)
    low = labels_low.astype(jnp.int32)
    keys, cep, kneg, scal = pl.pallas_call(
        functools.partial(_dense_kernel, nchunk, chunk),
        grid=(nchunk,),
        in_specs=[
            pl.BlockSpec((b, c_cls, chunk), lambda c: (0, 0, c)),
            pl.BlockSpec((b, 4, chunk), lambda c: (0, 0, c)),
            pl.BlockSpec((b, 4, chunk), lambda c: (0, 0, c)),
            pl.BlockSpec((b, p), lambda c: (0, 0)),
            pl.BlockSpec((b, p), lambda c: (0, 0)),
        ],
        out_specs=[
            pl.BlockSpec((b, chunk // 128, 128), lambda c: (0, c, 0)),
            pl.BlockSpec((b, chunk // 128, 128), lambda c: (0, c, 0)),
            pl.BlockSpec((b, 128), lambda c: (0, 0)),
            pl.BlockSpec(memory_space=pltpu.SMEM),
        ],
        out_shape=[
            jax.ShapeDtypeStruct((b, p // 128, 128), jnp.int32),
            jax.ShapeDtypeStruct((b, p // 128, 128), jnp.float32),
            jax.ShapeDtypeStruct((b, 128), jnp.int32),
            jax.ShapeDtypeStruct((1, 4), jnp.float32),
        ],
        scratch_shapes=[
            pltpu.VMEM((b, chunk), jnp.int32),
            pltpu.VMEM((b, chunk), jnp.float32),
            pltpu.VMEM((b, chunk), jnp.float32),
        ],
    )(conf_t, pred_t, gt_t, lab, low)

    mesh = plsc.VectorSubcoreMesh(core_axis_name="c", subcore_axis_name="s")
    negrow = functools.partial(
        pl.kernel,
        mesh=mesh,
        compiler_params=pltpu.CompilerParams(needs_layout_passes=False),
        out_type=jax.ShapeDtypeStruct((b, 128), jnp.float32),
        scratch_types=[
            pltpu.VMEM((p // 128, 128), jnp.int32),
            pltpu.VMEM((p // 128, 128), jnp.float32),
            pltpu.VMEM((128,), jnp.int32),
            pltpu.VMEM((128,), jnp.float32),
            pltpu.VMEM((16,), jnp.int32),
            pltpu.VMEM((16,), jnp.float32),
        ],
    )(functools.partial(_sc_mine_body, p, b))(keys, cep, kneg)

    sl1_tot, ce_pos_tot, npos_tot = scal[0, 0], scal[0, 1], scal[0, 2]
    cls_tot = ce_pos_tot + jnp.sum(negrow[:, 0])
    denom = npos_tot + 1e-6
    return (sl1_tot / denom, cls_tot / denom)

# --- scband reference (transcript-rebuilt; emitter-appended) ---
"""Pipeline reference for scband-multibox-loss2-42374147342944 (READ-ONLY COPY).

The authoritative reference and input builder live on the scoring server;
editing this copy changes nothing except your own understanding.
"""

import jax, jax.numpy as jnp
import numpy as np

NEG_POS_RATIO = 3


def setup_inputs(seed: int = 0) -> dict:
    key = jax.random.key(seed)
    k1, k2, k3, k4, k5 = jax.random.split(key, 5)
    B, P, C = 32, 32768, 21
    confidence = jax.random.normal(k1, (B, P, C), dtype=jnp.float32)
    predicted_locations = jax.random.normal(k2, (B, P, 4), dtype=jnp.float32)
    labels = jax.random.randint(k3, (B, P), 0, 21, dtype=jnp.int64) if jax.config.jax_enable_x64 else jax.random.randint(k3, (B, P), 0, 21).astype(jnp.int32)
    labels_low = jax.random.randint(k4, (B, P), 0, 21).astype(labels.dtype)
    gt_locations = jax.random.normal(k5, (B, P, 4), dtype=jnp.float32)
    return {
        'confidence': confidence,
        'predicted_locations': predicted_locations,
        'labels': labels,
        'labels_low': labels_low,
        'gt_locations': gt_locations,
    }


def _hard_negative_mining2(loss, labels, labels_low, neg_pos_ratio):
    # positives are labels > 0; low-quality matches (labels_low > 0) are also
    # excluded from the negative pool. Rank remaining losses descending and
    # keep the top num_pos * neg_pos_ratio negatives per row.
    pos_mask = labels > 0
    num_pos = pos_mask.sum(axis=1, keepdims=True)
    num_neg = num_pos * neg_pos_ratio
    excluded = pos_mask | (labels_low > 0)
    masked = jnp.where(excluded, -jnp.inf, loss)
    indexes = jnp.argsort(-masked, axis=1)
    orders = jnp.argsort(indexes, axis=1)
    neg_mask = orders < num_neg
    return pos_mask | neg_mask


def reference(confidence, predicted_locations, labels, labels_low, gt_locations):
    num_classes = confidence.shape[2]
    # mining loss computed under no_grad in torch
    bg_loss = -jax.nn.log_softmax(jax.lax.stop_gradient(confidence), axis=2)[:, :, 0]
    mask = _hard_negative_mining2(bg_loss, labels, labels_low, NEG_POS_RATIO)
    # classification: sum cross-entropy over selected (pos + hard-neg) priors
    logp = jax.nn.log_softmax(confidence, axis=2)
    ce_per = -jnp.take_along_axis(logp, labels[:, :, None], axis=2)[:, :, 0]
    classification_loss = jnp.sum(jnp.where(mask, ce_per, 0.0))
    # localization: smooth L1 over positive priors
    pos_mask = labels > 0
    diff = predicted_locations - gt_locations
    ad = jnp.abs(diff)
    sl1 = jnp.where(ad < 1.0, 0.5 * ad * ad, ad - 0.5)
    smooth_l1_loss = jnp.sum(sl1 * pos_mask[:, :, None].astype(sl1.dtype))
    num_pos = pos_mask.sum().astype(jnp.float32) + 1e-06
    return (smooth_l1_loss / num_pos, classification_loss / num_pos)

if __name__ == "__main__":
    import jax
    _d = setup_inputs()
    print(jax.jit(kernel)(*tuple(_d.values())))

</pallas_src>

<mosaic_0001>
#map = affine_map<(d0, d1) -> (0, 0, 0)>
#map1 = affine_map<(d0, d1) -> (0, 0)>
module attributes {stable_mosaic.version = 14 : i64} {
  func.func @_sc_mine_body(%arg0: i32, %arg1: i32, %arg2: memref<32x256x128xi32, #tpu.memory_space<hbm>>, %arg3: memref<32x256x128xf32, #tpu.memory_space<hbm>>, %arg4: memref<32x128xi32, #tpu.memory_space<hbm>>, %arg5: memref<32x128xf32, #tpu.memory_space<hbm>>, %arg6: memref<256x128xi32, #tpu.memory_space<vmem>>, %arg7: memref<256x128xf32, #tpu.memory_space<vmem>>, %arg8: memref<128xi32, #tpu.memory_space<vmem>>, %arg9: memref<128xf32, #tpu.memory_space<vmem>>, %arg10: memref<16xi32, #tpu.memory_space<vmem>>, %arg11: memref<16xf32, #tpu.memory_space<vmem>>) attributes {dimension_semantics = [#tpu.dimension_semantics<core_parallel>, #tpu.dimension_semantics<subcore_parallel>], iteration_bounds = array<i64: 2, 16>, scalar_prefetch = 0 : i64, scratch_operands = 6 : i64, tpu.core_type = #tpu.core_type<sc_vector_subcore>, window_params = [{transform_indices = #map}, {transform_indices = #map}, {transform_indices = #map1}, {transform_indices = #map1}]} {
    %mul3A = arith.constant 2 : i32
    %mul3A_0 = arith.muli %arg1, %mul3A : i32
    %add3A = arith.addi %mul3A_0, %arg0 : i32
    %lt3A = arith.constant 32 : i32
    %lt3A_1 = arith.cmpi slt, %add3A, %lt3A : i32
    %convert_element_type3A = arith.extui %lt3A_1 : i1 to i32
    %cond3A = arith.constant 0 : i32
    %cond3A_2 = arith.cmpi ne, %convert_element_type3A, %cond3A : i32
    scf.if %cond3A_2 {
      "tpu.region"() ({
        %run_scoped3A = tpu.sem_alloc : memref<!tpu.dma_semaphore, #tpu.memory_space<semaphore_mem>>
        %dma_start3A = arith.constant 0 : i32
        %dma_start3A_75 = arith.constant 0 : i32
        %dma_start3A_76 = tpu.memref_slice %arg3[%add3A, %dma_start3A, %dma_start3A_75] : memref<32x256x128xf32, #tpu.memory_space<hbm>> -> memref<1x256x128xf32, #tpu.memory_space<hbm>>
        %dma_start3A_77 = tpu.memref_squeeze %dma_start3A_76 : memref<1x256x128xf32, #tpu.memory_space<hbm>> -> memref<256x128xf32, #tpu.memory_space<hbm>>
        %dma_start3A_78 = arith.constant 0 : i32
        %dma_start3A_79 = arith.constant 0 : i32
        %dma_start3A_80 = tpu.memref_slice %arg3[%add3A, %dma_start3A_78, %dma_start3A_79] : memref<32x256x128xf32, #tpu.memory_space<hbm>> -> memref<1x256x128xf32, #tpu.memory_space<hbm>>
        %dma_start3A_81 = tpu.memref_squeeze %dma_start3A_80 : memref<1x256x128xf32, #tpu.memory_space<hbm>> -> memref<256x128xf32, #tpu.memory_space<hbm>>
        tpu.enqueue_dma source(%dma_start3A_81 : memref<256x128xf32, #tpu.memory_space<hbm>>) target(%arg7 : memref<256x128xf32, #tpu.memory_space<vmem>>) target_semaphore(%run_scoped3A : memref<!tpu.dma_semaphore, #tpu.memory_space<semaphore_mem>>)
        %dma_wait3A = arith.constant 0 : i32
        %dma_wait3A_82 = arith.constant 0 : i32
        %dma_wait3A_83 = tpu.memref_slice %arg3[%add3A, %dma_wait3A, %dma_wait3A_82] : memref<32x256x128xf32, #tpu.memory_space<hbm>> -> memref<1x256x128xf32, #tpu.memory_space<hbm>>
        %dma_wait3A_84 = tpu.memref_squeeze %dma_wait3A_83 : memref<1x256x128xf32, #tpu.memory_space<hbm>> -> memref<256x128xf32, #tpu.memory_space<hbm>>
        %dma_wait3A_85 = arith.constant 0 : i32
        %dma_wait3A_86 = arith.constant 0 : i32
        %dma_wait3A_87 = tpu.memref_slice %arg3[%add3A, %dma_wait3A_85, %dma_wait3A_86] : memref<32x256x128xf32, #tpu.memory_space<hbm>> -> memref<1x256x128xf32, #tpu.memory_space<hbm>>
        %dma_wait3A_88 = tpu.memref_squeeze %dma_wait3A_87 : memref<1x256x128xf32, #tpu.memory_space<hbm>> -> memref<256x128xf32, #tpu.memory_space<hbm>>
        tpu.wait_dma2 semaphore(%run_scoped3A : memref<!tpu.dma_semaphore, #tpu.memory_space<semaphore_mem>>) src(%dma_wait3A_88 : memref<256x128xf32, #tpu.memory_space<hbm>>) dst(%arg7 : memref<256x128xf32, #tpu.memory_space<vmem>>)
        tpu.yield
      }) : () -> ()
      "tpu.region"() ({
        %run_scoped3A = tpu.sem_alloc : memref<!tpu.dma_semaphore, #tpu.memory_space<semaphore_mem>>
        %dma_start3A = arith.constant 0 : i32
        %dma_start3A_75 = tpu.memref_slice %arg4[%add3A, %dma_start3A] : memref<32x128xi32, #tpu.memory_space<hbm>> -> memref<1x128xi32, #tpu.memory_space<hbm>>
        %dma_start3A_76 = tpu.memref_squeeze %dma_start3A_75 : memref<1x128xi32, #tpu.memory_space<hbm>> -> memref<128xi32, #tpu.memory_space<hbm>>
        %dma_start3A_77 = arith.constant 0 : i32
        %dma_start3A_78 = tpu.memref_slice %arg4[%add3A, %dma_start3A_77] : memref<32x128xi32, #tpu.memory_space<hbm>> -> memref<1x128xi32, #tpu.memory_space<hbm>>
        %dma_start3A_79 = tpu.memref_squeeze %dma_start3A_78 : memref<1x128xi32, #tpu.memory_space<hbm>> -> memref<128xi32, #tpu.memory_space<hbm>>
        tpu.enqueue_dma source(%dma_start3A_79 : memref<128xi32, #tpu.memory_space<hbm>>) target(%arg8 : memref<128xi32, #tpu.memory_space<vmem>>) target_semaphore(%run_scoped3A : memref<!tpu.dma_semaphore, #tpu.memory_space<semaphore_mem>>)
        %dma_wait3A = arith.constant 0 : i32
        %dma_wait3A_80 = tpu.memref_slice %arg4[%add3A, %dma_wait3A] : memref<32x128xi32, #tpu.memory_space<hbm>> -> memref<1x128xi32, #tpu.memory_space<hbm>>
        %dma_wait3A_81 = tpu.memref_squeeze %dma_wait3A_80 : memref<1x128xi32, #tpu.memory_space<hbm>> -> memref<128xi32, #tpu.memory_space<hbm>>
        %dma_wait3A_82 = arith.constant 0 : i32
        %dma_wait3A_83 = tpu.memref_slice %arg4[%add3A, %dma_wait3A_82] : memref<32x128xi32, #tpu.memory_space<hbm>> -> memref<1x128xi32, #tpu.memory_space<hbm>>
        %dma_wait3A_84 = tpu.memref_squeeze %dma_wait3A_83 : memref<1x128xi32, #tpu.memory_space<hbm>> -> memref<128xi32, #tpu.memory_space<hbm>>
        tpu.wait_dma2 semaphore(%run_scoped3A : memref<!tpu.dma_semaphore, #tpu.memory_space<semaphore_mem>>) src(%dma_wait3A_84 : memref<128xi32, #tpu.memory_space<hbm>>) dst(%arg8 : memref<128xi32, #tpu.memory_space<vmem>>)
        tpu.yield
      }) : () -> ()
      %iota3A = tpu.iota {dimensions = array<i32: 0>} : vector<16xi32>
      %get3A = arith.constant 0 : index
      %get3A_3 = tpu.vector_load %arg8[%get3A] {strides = array<i32>} : memref<128xi32, #tpu.memory_space<vmem>>, vector<16xi32>,
      %swap3A = arith.constant 0 : index
      %swap3A_4 = tpu.vector_load %arg10[%swap3A] {strides = array<i32>} : memref<16xi32, #tpu.memory_space<vmem>>, vector<16xi32>,
      tpu.vector_store %arg10[%swap3A], %get3A_3 {strides = array<i32>} : memref<16xi32, #tpu.memory_space<vmem>>, vector<16xi32>,
      %xor3A = arith.constant 8 : i32
      %xor3A_5 = vector.broadcast %xor3A : i32 to vector<16xi32>
      %xor3A_6 = arith.xori %iota3A, %xor3A_5 : vector<16xi32>
      %gather3A = tpu.vector_load_idx %arg10[%xor3A_6] : memref<16xi32, #tpu.memory_space<vmem>>[vector<16xi32>], vector<16xi32>,
      %add3A_7 = arith.addi %get3A_3, %gather3A : vector<16xi32>
      %swap3A_8 = arith.constant 0 : index
      %swap3A_9 = tpu.vector_load %arg10[%swap3A_8] {strides = array<i32>} : memref<16xi32, #tpu.memory_space<vmem>>, vector<16xi32>,
      tpu.vector_store %arg10[%swap3A_8], %add3A_7 {strides = array<i32>} : memref<16xi32, #tpu.memory_space<vmem>>, vector<16xi32>,
      %xor3A_10 = arith.constant 4 : i32
      %xor3A_11 = vector.broadcast %xor3A_10 : i32 to vector<16xi32>
      %xor3A_12 = arith.xori %iota3A, %xor3A_11 : vector<16xi32>
      %gather3A_13 = tpu.vector_load_idx %arg10[%xor3A_12] : memref<16xi32, #tpu.memory_space<vmem>>[vector<16xi32>], vector<16xi32>,
      %add3A_14 = arith.addi %add3A_7, %gather3A_13 : vector<16xi32>
      %swap3A_15 = arith.constant 0 : index
      %swap3A_16 = tpu.vector_load %arg10[%swap3A_15] {strides = array<i32>} : memref<16xi32, #tpu.memory_space<vmem>>, vector<16xi32>,
      tpu.vector_store %arg10[%swap3A_15], %add3A_14 {strides = array<i32>} : memref<16xi32, #tpu.memory_space<vmem>>, vector<16xi32>,
      %xor3A_17 = arith.constant 2 : i32
      %xor3A_18 = vector.broadcast %xor3A_17 : i32 to vector<16xi32>
      %xor3A_19 = arith.xori %iota3A, %xor3A_18 : vector<16xi32>
      %gather3A_20 = tpu.vector_load_idx %arg10[%xor3A_19] : memref<16xi32, #tpu.memory_space<vmem>>[vector<16xi32>], vector<16xi32>,
      %add3A_21 = arith.addi %add3A_14, %gather3A_20 : vector<16xi32>
      %swap3A_22 = arith.constant 0 : index
      %swap3A_23 = tpu.vector_load %arg10[%swap3A_22] {strides = array<i32>} : memref<16xi32, #tpu.memory_space<vmem>>, vector<16xi32>,
      tpu.vector_store %arg10[%swap3A_22], %add3A_21 {strides = array<i32>} : memref<16xi32, #tpu.memory_space<vmem>>, vector<16xi32>,
      %xor3A_24 = arith.constant 1 : i32
      %xor3A_25 = vector.broadcast %xor3A_24 : i32 to vector<16xi32>
      %xor3A_26 = arith.xori %iota3A, %xor3A_25 : vector<16xi32>
      %gather3A_27 = tpu.vector_load_idx %arg10[%xor3A_26] : memref<16xi32, #tpu.memory_space<vmem>>[vector<16xi32>], vector<16xi32>,
      %add3A_28 = arith.addi %add3A_21, %gather3A_27 : vector<16xi32>
      %ge3A = arith.constant 32768 : i32
      %ge3A_29 = vector.broadcast %ge3A : i32 to vector<16xi32>
      %ge3A_30 = arith.cmpi sge, %add3A_28, %ge3A_29 : vector<16xi32>
      %reduce_and3A = arith.constant 1.000000e+00 : f32
      %reduce_and3A_31 = arith.constant 0.000000e+00 : f32
      %reduce_and3A_32 = vector.broadcast %reduce_and3A : f32 to vector<16xf32>
      %reduce_and3A_33 = vector.broadcast %reduce_and3A_31 : f32 to vector<16xf32>
      %reduce_and3A_34 = arith.select %ge3A_30, %reduce_and3A_32, %reduce_and3A_33 : vector<16xi1>, vector<16xf32>
      %reduce_and3A_35 = arith.constant true
      %reduce_and3A_36 = vector.broadcast %reduce_and3A_35 : i1 to vector<16xi1>
      %reduce_and3A_37 = tpu.scan <min>, %reduce_and3A_34 masked %reduce_and3A_36 : vector<16xf32>, vector<16xi1> -> vector<16xf32>
      %reduce_and3A_38 = vector.extract %reduce_and3A_37[15] : f32 from vector<16xf32>
      %reduce_and3A_39 = arith.constant 0.000000e+00 : f32
      %reduce_and3A_40 = arith.cmpf ogt, %reduce_and3A_38, %reduce_and3A_39 : f32
      %convert_element_type3A_41 = arith.extui %reduce_and3A_40 : i1 to i32
      %cond3A_42 = arith.constant 0 : i32
      %cond3A_43 = arith.cmpi ne, %convert_element_type3A_41, %cond3A_42 : i32
      %cond3A_44 = scf.if %cond3A_43 -> (vector<16xf32>) {
        %broadcast_in_dim3A = arith.constant 0.000000e+00 : f32
        %broadcast_in_dim3A_75 = vector.broadcast %broadcast_in_dim3A : f32 to vector<16xf32>
        %scan3A = arith.constant 0 : i32
        %scan3A_76 = arith.constant 2048 : i32
        %scan3A_77 = arith.addi %scan3A, %scan3A_76 : i32
        %scan3A_78 = arith.constant 1 : i32
        %scan3A_79 = scf.for %scan3A_81 = %scan3A to %scan3A_77 step %scan3A_78 iter_args(%scan3A_82 = %broadcast_in_dim3A_75) -> (vector<16xf32>)  : i32 {
          %jit3A = arith.constant 8 : i32
          %div3A = arith.divsi %scan3A_81, %jit3A : i32
          %sign3A = arith.constant 0 : i32
          %sign3A_83 = arith.cmpi sgt, %scan3A_81, %sign3A : i32
          %sign3A_84 = arith.extui %sign3A_83 : i1 to i32
          %sign3A_85 = arith.constant 0 : i32
          %sign3A_86 = arith.cmpi slt, %scan3A_81, %sign3A_85 : i32
          %sign3A_87 = arith.extui %sign3A_86 : i1 to i32
          %sign3A_88 = arith.subi %sign3A_84, %sign3A_87 : i32
          %sign3A_89 = arith.constant 0 : i32
          %sign3A_90 = arith.cmpi sgt, %jit3A, %sign3A_89 : i32
          %sign3A_91 = arith.extui %sign3A_90 : i1 to i32
          %sign3A_92 = arith.constant 0 : i32
          %sign3A_93 = arith.cmpi slt, %jit3A, %sign3A_92 : i32
          %sign3A_94 = arith.extui %sign3A_93 : i1 to i32
          %sign3A_95 = arith.subi %sign3A_91, %sign3A_94 : i32
          %ne3A = arith.cmpi ne, %sign3A_88, %sign3A_95 : i32
          %rem3A = arith.remsi %scan3A_81, %jit3A : i32
          %ne3A_96 = arith.constant 0 : i32
          %ne3A_97 = arith.cmpi ne, %rem3A, %ne3A_96 : i32
          %and3A = arith.andi %ne3A, %ne3A_97 : i1
          %sub3A = arith.constant 1 : i32
          %sub3A_98 = arith.subi %div3A, %sub3A : i32
          %select_n3A = arith.select %and3A, %sub3A_98, %div3A : i32
          %jit3A_99 = arith.constant 8 : i32
          %eq3A = arith.constant 0 : i32
          %eq3A_100 = arith.cmpi eq, %jit3A_99, %eq3A : i32
          %jit3A_101 = arith.constant 1 : i32
          %select_n3A_102 = arith.select %eq3A_100, %jit3A_101, %jit3A_99 : i32
          %rem3A_103 = arith.remsi %scan3A_81, %select_n3A_102 : i32
          %ne3A_104 = arith.constant 0 : i32
          %ne3A_105 = arith.cmpi ne, %rem3A_103, %ne3A_104 : i32
          %lt3A_106 = arith.constant 0 : i32
          %lt3A_107 = arith.cmpi slt, %rem3A_103, %lt3A_106 : i32
          %lt3A_108 = arith.constant 0 : i32
          %lt3A_109 = arith.cmpi slt, %select_n3A_102, %lt3A_108 : i32
          %ne3A_110 = arith.xori %lt3A_107, %lt3A_109 : i1
          %and3A_111 = arith.andi %ne3A_110, %ne3A_105 : i1
          %add3A_112 = arith.addi %rem3A_103, %select_n3A_102 : i32
          %select_n3A_113 = arith.select %and3A_111, %add3A_112, %rem3A_103 : i32
          %mul3A_114 = arith.constant 16 : i32
          %mul3A_115 = arith.muli %select_n3A_113, %mul3A_114 : i32
          %get3A_116 = arith.index_cast %select_n3A : i32 to index
          %get3A_117 = arith.index_cast %mul3A_115 : i32 to index
          %get3A_118 = tpu.vector_load %arg7[%get3A_116, %get3A_117] {strides = array<i32>} : memref<256x128xf32, #tpu.memory_space<vmem>>, vector<16xf32>,
          %max3A = arith.constant 0.000000e+00 : f32
          %max3A_119 = vector.broadcast %max3A : f32 to vector<16xf32>
          %max3A_120 = arith.maximumf %get3A_118, %max3A_119 : vector<16xf32>
          %add3A_121 = arith.addf %scan3A_82, %max3A_120 : vector<16xf32>
          scf.yield %add3A_121 : vector<16xf32>
        }
        %scan3A_80 = arith.constant 2048 : i32
        scf.yield %scan3A_79 : vector<16xf32>
      } else {
        "tpu.region"() ({
          %run_scoped3A = tpu.sem_alloc : memref<!tpu.dma_semaphore, #tpu.memory_space<semaphore_mem>>
          %dma_start3A = arith.constant 0 : i32
          %dma_start3A_179 = arith.constant 0 : i32
          %dma_start3A_180 = tpu.memref_slice %arg2[%add3A, %dma_start3A, %dma_start3A_179] : memref<32x256x128xi32, #tpu.memory_space<hbm>> -> memref<1x256x128xi32, #tpu.memory_space<hbm>>
          %dma_start3A_181 = tpu.memref_squeeze %dma_start3A_180 : memref<1x256x128xi32, #tpu.memory_space<hbm>> -> memref<256x128xi32, #tpu.memory_space<hbm>>
          %dma_start3A_182 = arith.constant 0 : i32
          %dma_start3A_183 = arith.constant 0 : i32
          %dma_start3A_184 = tpu.memref_slice %arg2[%add3A, %dma_start3A_182, %dma_start3A_183] : memref<32x256x128xi32, #tpu.memory_space<hbm>> -> memref<1x256x128xi32, #tpu.memory_space<hbm>>
          %dma_start3A_185 = tpu.memref_squeeze %dma_start3A_184 : memref<1x256x128xi32, #tpu.memory_space<hbm>> -> memref<256x128xi32, #tpu.memory_space<hbm>>
          tpu.enqueue_dma source(%dma_start3A_185 : memref<256x128xi32, #tpu.memory_space<hbm>>) target(%arg6 : memref<256x128xi32, #tpu.memory_space<vmem>>) target_semaphore(%run_scoped3A : memref<!tpu.dma_semaphore, #tpu.memory_space<semaphore_mem>>)
          %dma_wait3A = arith.constant 0 : i32
          %dma_wait3A_186 = arith.constant 0 : i32
          %dma_wait3A_187 = tpu.memref_slice %arg2[%add3A, %dma_wait3A, %dma_wait3A_186] : memref<32x256x128xi32, #tpu.memory_space<hbm>> -> memref<1x256x128xi32, #tpu.memory_space<hbm>>
          %dma_wait3A_188 = tpu.memref_squeeze %dma_wait3A_187 : memref<1x256x128xi32, #tpu.memory_space<hbm>> -> memref<256x128xi32, #tpu.memory_space<hbm>>
          %dma_wait3A_189 = arith.constant 0 : i32
          %dma_wait3A_190 = arith.constant 0 : i32
          %dma_wait3A_191 = tpu.memref_slice %arg2[%add3A, %dma_wait3A_189, %dma_wait3A_190] : memref<32x256x128xi32, #tpu.memory_space<hbm>> -> memref<1x256x128xi32, #tpu.memory_space<hbm>>
          %dma_wait3A_192 = tpu.memref_squeeze %dma_wait3A_191 : memref<1x256x128xi32, #tpu.memory_space<hbm>> -> memref<256x128xi32, #tpu.memory_space<hbm>>
          tpu.wait_dma2 semaphore(%run_scoped3A : memref<!tpu.dma_semaphore, #tpu.memory_space<semaphore_mem>>) src(%dma_wait3A_192 : memref<256x128xi32, #tpu.memory_space<hbm>>) dst(%arg6 : memref<256x128xi32, #tpu.memory_space<vmem>>)
          tpu.yield
        }) : () -> ()
        %broadcast_in_dim3A = arith.constant 0 : i32
        %broadcast_in_dim3A_75 = vector.broadcast %broadcast_in_dim3A : i32 to vector<16xi32>
        %scan3A = arith.constant 0 : i32
        %scan3A_76 = arith.constant 31 : i32
        %scan3A_77 = arith.addi %scan3A, %scan3A_76 : i32
        %scan3A_78 = arith.constant 1 : i32
        %scan3A_79 = scf.for %scan3A_179 = %scan3A to %scan3A_77 step %scan3A_78 iter_args(%scan3A_180 = %broadcast_in_dim3A_75) -> (vector<16xi32>)  : i32 {
          %broadcast_in_dim3A_181 = arith.constant 1 : i32
          %broadcast_in_dim3A_182 = vector.broadcast %broadcast_in_dim3A_181 : i32 to vector<16xi32>
          %sub3A_183 = arith.constant 30 : i32
          %sub3A_184 = arith.subi %sub3A_183, %scan3A_179 : i32
          %shift_left3A = vector.broadcast %sub3A_184 : i32 to vector<16xi32>
          %shift_left3A_185 = arith.shli %broadcast_in_dim3A_182, %shift_left3A : vector<16xi32>
          %or3A = arith.ori %scan3A_180, %shift_left3A_185 : vector<16xi32>
          %broadcast_in_dim3A_186 = arith.constant 0 : i32
          %broadcast_in_dim3A_187 = vector.broadcast %broadcast_in_dim3A_186 : i32 to vector<16xi32>
          %scan3A_188 = arith.constant 0 : i32
          %scan3A_189 = arith.constant 2048 : i32
          %scan3A_190 = arith.addi %scan3A_188, %scan3A_189 : i32
          %scan3A_191 = arith.constant 1 : i32
          %scan3A_192 = scf.for %scan3A_224 = %scan3A_188 to %scan3A_190 step %scan3A_191 iter_args(%scan3A_225 = %broadcast_in_dim3A_187) -> (vector<16xi32>)  : i32 {
            %jit3A_226 = arith.constant 8 : i32
            %div3A = arith.divsi %scan3A_224, %jit3A_226 : i32
            %sign3A = arith.constant 0 : i32
            %sign3A_227 = arith.cmpi sgt, %scan3A_224, %sign3A : i32
            %sign3A_228 = arith.extui %sign3A_227 : i1 to i32
            %sign3A_229 = arith.constant 0 : i32
            %sign3A_230 = arith.cmpi slt, %scan3A_224, %sign3A_229 : i32
            %sign3A_231 = arith.extui %sign3A_230 : i1 to i32
            %sign3A_232 = arith.subi %sign3A_228, %sign3A_231 : i32
            %sign3A_233 = arith.constant 0 : i32
            %sign3A_234 = arith.cmpi sgt, %jit3A_226, %sign3A_233 : i32
            %sign3A_235 = arith.extui %sign3A_234 : i1 to i32
            %sign3A_236 = arith.constant 0 : i32
            %sign3A_237 = arith.cmpi slt, %jit3A_226, %sign3A_236 : i32
            %sign3A_238 = arith.extui %sign3A_237 : i1 to i32
            %sign3A_239 = arith.subi %sign3A_235, %sign3A_238 : i32
            %ne3A = arith.cmpi ne, %sign3A_232, %sign3A_239 : i32
            %rem3A = arith.remsi %scan3A_224, %jit3A_226 : i32
            %ne3A_240 = arith.constant 0 : i32
            %ne3A_241 = arith.cmpi ne, %rem3A, %ne3A_240 : i32
            %and3A = arith.andi %ne3A, %ne3A_241 : i1
            %sub3A_242 = arith.constant 1 : i32
            %sub3A_243 = arith.subi %div3A, %sub3A_242 : i32
            %select_n3A_244 = arith.select %and3A, %sub3A_243, %div3A : i32
            %jit3A_245 = arith.constant 8 : i32
            %eq3A = arith.constant 0 : i32
            %eq3A_246 = arith.cmpi eq, %jit3A_245, %eq3A : i32
            %jit3A_247 = arith.constant 1 : i32
            %select_n3A_248 = arith.select %eq3A_246, %jit3A_247, %jit3A_245 : i32
            %rem3A_249 = arith.remsi %scan3A_224, %select_n3A_248 : i32
            %ne3A_250 = arith.constant 0 : i32
            %ne3A_251 = arith.cmpi ne, %rem3A_249, %ne3A_250 : i32
            %lt3A_252 = arith.constant 0 : i32
            %lt3A_253 = arith.cmpi slt, %rem3A_249, %lt3A_252 : i32
            %lt3A_254 = arith.constant 0 : i32
            %lt3A_255 = arith.cmpi slt, %select_n3A_248, %lt3A_254 : i32
            %ne3A_256 = arith.xori %lt3A_253, %lt3A_255 : i1
            %and3A_257 = arith.andi %ne3A_256, %ne3A_251 : i1
            %add3A_258 = arith.addi %rem3A_249, %select_n3A_248 : i32
            %select_n3A_259 = arith.select %and3A_257, %add3A_258, %rem3A_249 : i32
            %mul3A_260 = arith.constant 16 : i32
            %mul3A_261 = arith.muli %select_n3A_259, %mul3A_260 : i32
            %get3A_262 = arith.index_cast %select_n3A_244 : i32 to index
            %get3A_263 = arith.index_cast %mul3A_261 : i32 to index
            %get3A_264 = tpu.vector_load %arg6[%get3A_262, %get3A_263] {strides = array<i32>} : memref<256x128xi32, #tpu.memory_space<vmem>>, vector<16xi32>,
            %ge3A_265 = arith.cmpi sge, %get3A_264, %or3A : vector<16xi32>
            %jit3A_266 = arith.constant 1 : i32
            %jit3A_267 = arith.constant 0 : i32
            %broadcast_in_dim3A_268 = vector.broadcast %jit3A_266 : i32 to vector<16xi32>
            %broadcast_in_dim3A_269 = vector.broadcast %jit3A_267 : i32 to vector<16xi32>
            %select_n3A_270 = arith.select %ge3A_265, %broadcast_in_dim3A_268, %broadcast_in_dim3A_269 : vector<16xi1>, vector<16xi32>
            %add3A_271 = arith.addi %scan3A_225, %select_n3A_270 : vector<16xi32>
            scf.yield %add3A_271 : vector<16xi32>
          }
          %scan3A_193 = arith.constant 2048 : i32
          %swap3A_194 = arith.constant 0 : index
          %swap3A_195 = tpu.vector_load %arg10[%swap3A_194] {strides = array<i32>} : memref<16xi32, #tpu.memory_space<vmem>>, vector<16xi32>,
          tpu.vector_store %arg10[%swap3A_194], %scan3A_192 {strides = array<i32>} : memref<16xi32, #tpu.memory_space<vmem>>, vector<16xi32>,
          %xor3A_196 = arith.constant 8 : i32
          %xor3A_197 = vector.broadcast %xor3A_196 : i32 to vector<16xi32>
          %xor3A_198 = arith.xori %iota3A, %xor3A_197 : vector<16xi32>
          %gather3A_199 = tpu.vector_load_idx %arg10[%xor3A_198] : memref<16xi32, #tpu.memory_space<vmem>>[vector<16xi32>], vector<16xi32>,
          %add3A_200 = arith.addi %scan3A_192, %gather3A_199 : vector<16xi32>
          %swap3A_201 = arith.constant 0 : index
          %swap3A_202 = tpu.vector_load %arg10[%swap3A_201] {strides = array<i32>} : memref<16xi32, #tpu.memory_space<vmem>>, vector<16xi32>,
          tpu.vector_store %arg10[%swap3A_201], %add3A_200 {strides = array<i32>} : memref<16xi32, #tpu.memory_space<vmem>>, vector<16xi32>,
          %xor3A_203 = arith.constant 4 : i32
          %xor3A_204 = vector.broadcast %xor3A_203 : i32 to vector<16xi32>
          %xor3A_205 = arith.xori %iota3A, %xor3A_204 : vector<16xi32>
          %gather3A_206 = tpu.vector_load_idx %arg10[%xor3A_205] : memref<16xi32, #tpu.memory_space<vmem>>[vector<16xi32>], vector<16xi32>,
          %add3A_207 = arith.addi %add3A_200, %gather3A_206 : vector<16xi32>
          %swap3A_208 = arith.constant 0 : index
          %swap3A_209 = tpu.vector_load %arg10[%swap3A_208] {strides = array<i32>} : memref<16xi32, #tpu.memory_space<vmem>>, vector<16xi32>,
          tpu.vector_store %arg10[%swap3A_208], %add3A_207 {strides = array<i32>} : memref<16xi32, #tpu.memory_space<vmem>>, vector<16xi32>,
          %xor3A_210 = arith.constant 2 : i32
          %xor3A_211 = vector.broadcast %xor3A_210 : i32 to vector<16xi32>
          %xor3A_212 = arith.xori %iota3A, %xor3A_211 : vector<16xi32>
          %gather3A_213 = tpu.vector_load_idx %arg10[%xor3A_212] : memref<16xi32, #tpu.memory_space<vmem>>[vector<16xi32>], vector<16xi32>,
          %add3A_214 = arith.addi %add3A_207, %gather3A_213 : vector<16xi32>
          %swap3A_215 = arith.constant 0 : index
          %swap3A_216 = tpu.vector_load %arg10[%swap3A_215] {strides = array<i32>} : memref<16xi32, #tpu.memory_space<vmem>>, vector<16xi32>,
          tpu.vector_store %arg10[%swap3A_215], %add3A_214 {strides = array<i32>} : memref<16xi32, #tpu.memory_space<vmem>>, vector<16xi32>,
          %xor3A_217 = arith.constant 1 : i32
          %xor3A_218 = vector.broadcast %xor3A_217 : i32 to vector<16xi32>
          %xor3A_219 = arith.xori %iota3A, %xor3A_218 : vector<16xi32>
          %gather3A_220 = tpu.vector_load_idx %arg10[%xor3A_219] : memref<16xi32, #tpu.memory_space<vmem>>[vector<16xi32>], vector<16xi32>,
          %add3A_221 = arith.addi %add3A_214, %gather3A_220 : vector<16xi32>
          %ge3A_222 = arith.cmpi sge, %add3A_221, %add3A_28 : vector<16xi32>
          %select_n3A_223 = arith.select %ge3A_222, %or3A, %scan3A_180 : vector<16xi1>, vector<16xi32>
          scf.yield %select_n3A_223 : vector<16xi32>
        }
        %scan3A_80 = arith.constant 31 : i32
        %broadcast_in_dim3A_81 = arith.constant 0 : i32
        %broadcast_in_dim3A_82 = vector.broadcast %broadcast_in_dim3A_81 : i32 to vector<16xi32>
        %scan3A_83 = arith.constant 0 : i32
        %scan3A_84 = arith.constant 2048 : i32
        %scan3A_85 = arith.addi %scan3A_83, %scan3A_84 : i32
        %scan3A_86 = arith.constant 1 : i32
        %scan3A_87 = scf.for %scan3A_179 = %scan3A_83 to %scan3A_85 step %scan3A_86 iter_args(%scan3A_180 = %broadcast_in_dim3A_82) -> (vector<16xi32>)  : i32 {
          %jit3A_181 = arith.constant 8 : i32
          %div3A = arith.divsi %scan3A_179, %jit3A_181 : i32
          %sign3A = arith.constant 0 : i32
          %sign3A_182 = arith.cmpi sgt, %scan3A_179, %sign3A : i32
          %sign3A_183 = arith.extui %sign3A_182 : i1 to i32
          %sign3A_184 = arith.constant 0 : i32
          %sign3A_185 = arith.cmpi slt, %scan3A_179, %sign3A_184 : i32
          %sign3A_186 = arith.extui %sign3A_185 : i1 to i32
          %sign3A_187 = arith.subi %sign3A_183, %sign3A_186 : i32
          %sign3A_188 = arith.constant 0 : i32
          %sign3A_189 = arith.cmpi sgt, %jit3A_181, %sign3A_188 : i32
          %sign3A_190 = arith.extui %sign3A_189 : i1 to i32
          %sign3A_191 = arith.constant 0 : i32
          %sign3A_192 = arith.cmpi slt, %jit3A_181, %sign3A_191 : i32
          %sign3A_193 = arith.extui %sign3A_192 : i1 to i32
          %sign3A_194 = arith.subi %sign3A_190, %sign3A_193 : i32
          %ne3A = arith.cmpi ne, %sign3A_187, %sign3A_194 : i32
          %rem3A = arith.remsi %scan3A_179, %jit3A_181 : i32
          %ne3A_195 = arith.constant 0 : i32
          %ne3A_196 = arith.cmpi ne, %rem3A, %ne3A_195 : i32
          %and3A = arith.andi %ne3A, %ne3A_196 : i1
          %sub3A_197 = arith.constant 1 : i32
          %sub3A_198 = arith.subi %div3A, %sub3A_197 : i32
          %select_n3A_199 = arith.select %and3A, %sub3A_198, %div3A : i32
          %jit3A_200 = arith.constant 8 : i32
          %eq3A = arith.constant 0 : i32
          %eq3A_201 = arith.cmpi eq, %jit3A_200, %eq3A : i32
          %jit3A_202 = arith.constant 1 : i32
          %select_n3A_203 = arith.select %eq3A_201, %jit3A_202, %jit3A_200 : i32
          %rem3A_204 = arith.remsi %scan3A_179, %select_n3A_203 : i32
          %ne3A_205 = arith.constant 0 : i32
          %ne3A_206 = arith.cmpi ne, %rem3A_204, %ne3A_205 : i32
          %lt3A_207 = arith.constant 0 : i32
          %lt3A_208 = arith.cmpi slt, %rem3A_204, %lt3A_207 : i32
          %lt3A_209 = arith.constant 0 : i32
          %lt3A_210 = arith.cmpi slt, %select_n3A_203, %lt3A_209 : i32
          %ne3A_211 = arith.xori %lt3A_208, %lt3A_210 : i1
          %and3A_212 = arith.andi %ne3A_211, %ne3A_206 : i1
          %add3A_213 = arith.addi %rem3A_204, %select_n3A_203 : i32
          %select_n3A_214 = arith.select %and3A_212, %add3A_213, %rem3A_204 : i32
          %mul3A_215 = arith.constant 16 : i32
          %mul3A_216 = arith.muli %select_n3A_214, %mul3A_215 : i32
          %get3A_217 = arith.index_cast %select_n3A_199 : i32 to index
          %get3A_218 = arith.index_cast %mul3A_216 : i32 to index
          %get3A_219 = tpu.vector_load %arg6[%get3A_217, %get3A_218] {strides = array<i32>} : memref<256x128xi32, #tpu.memory_space<vmem>>, vector<16xi32>,
          %ge3A_220 = arith.cmpi sge, %get3A_219, %scan3A_79 : vector<16xi32>
          %jit3A_221 = arith.constant 1 : i32
          %jit3A_222 = arith.constant 0 : i32
          %broadcast_in_dim3A_223 = vector.broadcast %jit3A_221 : i32 to vector<16xi32>
          %broadcast_in_dim3A_224 = vector.broadcast %jit3A_222 : i32 to vector<16xi32>
          %select_n3A_225 = arith.select %ge3A_220, %broadcast_in_dim3A_223, %broadcast_in_dim3A_224 : vector<16xi1>, vector<16xi32>
          %add3A_226 = arith.addi %scan3A_180, %select_n3A_225 : vector<16xi32>
          scf.yield %add3A_226 : vector<16xi32>
        }
        %scan3A_88 = arith.constant 2048 : i32
        %swap3A_89 = arith.constant 0 : index
        %swap3A_90 = tpu.vector_load %arg10[%swap3A_89] {strides = array<i32>} : memref<16xi32, #tpu.memory_space<vmem>>, vector<16xi32>,
        tpu.vector_store %arg10[%swap3A_89], %scan3A_87 {strides = array<i32>} : memref<16xi32, #tpu.memory_space<vmem>>, vector<16xi32>,
        %xor3A_91 = arith.constant 8 : i32
        %xor3A_92 = vector.broadcast %xor3A_91 : i32 to vector<16xi32>
        %xor3A_93 = arith.xori %iota3A, %xor3A_92 : vector<16xi32>
        %gather3A_94 = tpu.vector_load_idx %arg10[%xor3A_93] : memref<16xi32, #tpu.memory_space<vmem>>[vector<16xi32>], vector<16xi32>,
        %add3A_95 = arith.addi %scan3A_87, %gather3A_94 : vector<16xi32>
        %swap3A_96 = arith.constant 0 : index
        %swap3A_97 = tpu.vector_load %arg10[%swap3A_96] {strides = array<i32>} : memref<16xi32, #tpu.memory_space<vmem>>, vector<16xi32>,
        tpu.vector_store %arg10[%swap3A_96], %add3A_95 {strides = array<i32>} : memref<16xi32, #tpu.memory_space<vmem>>, vector<16xi32>,
        %xor3A_98 = arith.constant 4 : i32
        %xor3A_99 = vector.broadcast %xor3A_98 : i32 to vector<16xi32>
        %xor3A_100 = arith.xori %iota3A, %xor3A_99 : vector<16xi32>
        %gather3A_101 = tpu.vector_load_idx %arg10[%xor3A_100] : memref<16xi32, #tpu.memory_space<vmem>>[vector<16xi32>], vector<16xi32>,
        %add3A_102 = arith.addi %add3A_95, %gather3A_101 : vector<16xi32>
        %swap3A_103 = arith.constant 0 : index
        %swap3A_104 = tpu.vector_load %arg10[%swap3A_103] {strides = array<i32>} : memref<16xi32, #tpu.memory_space<vmem>>, vector<16xi32>,
        tpu.vector_store %arg10[%swap3A_103], %add3A_102 {strides = array<i32>} : memref<16xi32, #tpu.memory_space<vmem>>, vector<16xi32>,
        %xor3A_105 = arith.constant 2 : i32
        %xor3A_106 = vector.broadcast %xor3A_105 : i32 to vector<16xi32>
        %xor3A_107 = arith.xori %iota3A, %xor3A_106 : vector<16xi32>
        %gather3A_108 = tpu.vector_load_idx %arg10[%xor3A_107] : memref<16xi32, #tpu.memory_space<vmem>>[vector<16xi32>], vector<16xi32>,
        %add3A_109 = arith.addi %add3A_102, %gather3A_108 : vector<16xi32>
        %swap3A_110 = arith.constant 0 : index
        %swap3A_111 = tpu.vector_load %arg10[%swap3A_110] {strides = array<i32>} : memref<16xi32, #tpu.memory_space<vmem>>, vector<16xi32>,
        tpu.vector_store %arg10[%swap3A_110], %add3A_109 {strides = array<i32>} : memref<16xi32, #tpu.memory_space<vmem>>, vector<16xi32>,
        %xor3A_112 = arith.constant 1 : i32
        %xor3A_113 = vector.broadcast %xor3A_112 : i32 to vector<16xi32>
        %xor3A_114 = arith.xori %iota3A, %xor3A_113 : vector<16xi32>
        %gather3A_115 = tpu.vector_load_idx %arg10[%xor3A_114] : memref<16xi32, #tpu.memory_space<vmem>>[vector<16xi32>], vector<16xi32>,
        %add3A_116 = arith.addi %add3A_109, %gather3A_115 : vector<16xi32>
        %ge3A_117 = arith.cmpi sge, %add3A_116, %add3A_28 : vector<16xi32>
        %jit3A = arith.constant -1 : i32
        %broadcast_in_dim3A_118 = vector.broadcast %jit3A : i32 to vector<16xi32>
        %select_n3A = arith.select %ge3A_117, %scan3A_79, %broadcast_in_dim3A_118 : vector<16xi1>, vector<16xi32>
        %broadcast_in_dim3A_119 = arith.constant 0 : i32
        %broadcast_in_dim3A_120 = vector.broadcast %broadcast_in_dim3A_119 : i32 to vector<16xi32>
        %scan3A_121 = arith.constant 0 : i32
        %scan3A_122 = arith.constant 2048 : i32
        %scan3A_123 = arith.addi %scan3A_121, %scan3A_122 : i32
        %scan3A_124 = arith.constant 1 : i32
        %scan3A_125 = scf.for %scan3A_179 = %scan3A_121 to %scan3A_123 step %scan3A_124 iter_args(%scan3A_180 = %broadcast_in_dim3A_120) -> (vector<16xi32>)  : i32 {
          %jit3A_181 = arith.constant 8 : i32
          %div3A = arith.divsi %scan3A_179, %jit3A_181 : i32
          %sign3A = arith.constant 0 : i32
          %sign3A_182 = arith.cmpi sgt, %scan3A_179, %sign3A : i32
          %sign3A_183 = arith.extui %sign3A_182 : i1 to i32
          %sign3A_184 = arith.constant 0 : i32
          %sign3A_185 = arith.cmpi slt, %scan3A_179, %sign3A_184 : i32
          %sign3A_186 = arith.extui %sign3A_185 : i1 to i32
          %sign3A_187 = arith.subi %sign3A_183, %sign3A_186 : i32
          %sign3A_188 = arith.constant 0 : i32
          %sign3A_189 = arith.cmpi sgt, %jit3A_181, %sign3A_188 : i32
          %sign3A_190 = arith.extui %sign3A_189 : i1 to i32
          %sign3A_191 = arith.constant 0 : i32
          %sign3A_192 = arith.cmpi slt, %jit3A_181, %sign3A_191 : i32
          %sign3A_193 = arith.extui %sign3A_192 : i1 to i32
          %sign3A_194 = arith.subi %sign3A_190, %sign3A_193 : i32
          %ne3A = arith.cmpi ne, %sign3A_187, %sign3A_194 : i32
          %rem3A = arith.remsi %scan3A_179, %jit3A_181 : i32
          %ne3A_195 = arith.constant 0 : i32
          %ne3A_196 = arith.cmpi ne, %rem3A, %ne3A_195 : i32
          %and3A = arith.andi %ne3A, %ne3A_196 : i1
          %sub3A_197 = arith.constant 1 : i32
          %sub3A_198 = arith.subi %div3A, %sub3A_197 : i32
          %select_n3A_199 = arith.select %and3A, %sub3A_198, %div3A : i32
          %jit3A_200 = arith.constant 8 : i32
          %eq3A = arith.constant 0 : i32
          %eq3A_201 = arith.cmpi eq, %jit3A_200, %eq3A : i32
          %jit3A_202 = arith.constant 1 : i32
          %select_n3A_203 = arith.select %eq3A_201, %jit3A_202, %jit3A_200 : i32
          %rem3A_204 = arith.remsi %scan3A_179, %select_n3A_203 : i32
          %ne3A_205 = arith.constant 0 : i32
          %ne3A_206 = arith.cmpi ne, %rem3A_204, %ne3A_205 : i32
          %lt3A_207 = arith.constant 0 : i32
          %lt3A_208 = arith.cmpi slt, %rem3A_204, %lt3A_207 : i32
          %lt3A_209 = arith.constant 0 : i32
          %lt3A_210 = arith.cmpi slt, %select_n3A_203, %lt3A_209 : i32
          %ne3A_211 = arith.xori %lt3A_208, %lt3A_210 : i1
          %and3A_212 = arith.andi %ne3A_211, %ne3A_206 : i1
          %add3A_213 = arith.addi %rem3A_204, %select_n3A_203 : i32
          %select_n3A_214 = arith.select %and3A_212, %add3A_213, %rem3A_204 : i32
          %mul3A_215 = arith.constant 16 : i32
          %mul3A_216 = arith.muli %select_n3A_214, %mul3A_215 : i32
          %get3A_217 = arith.index_cast %select_n3A_199 : i32 to index
          %get3A_218 = arith.index_cast %mul3A_216 : i32 to index
          %get3A_219 = tpu.vector_load %arg6[%get3A_217, %get3A_218] {strides = array<i32>} : memref<256x128xi32, #tpu.memory_space<vmem>>, vector<16xi32>,
          %gt3A_220 = arith.cmpi sgt, %get3A_219, %select_n3A : vector<16xi32>
          %jit3A_221 = arith.constant 1 : i32
          %jit3A_222 = arith.constant 0 : i32
          %broadcast_in_dim3A_223 = vector.broadcast %jit3A_221 : i32 to vector<16xi32>
          %broadcast_in_dim3A_224 = vector.broadcast %jit3A_222 : i32 to vector<16xi32>
          %select_n3A_225 = arith.select %gt3A_220, %broadcast_in_dim3A_223, %broadcast_in_dim3A_224 : vector<16xi1>, vector<16xi32>
          %add3A_226 = arith.addi %scan3A_180, %select_n3A_225 : vector<16xi32>
          scf.yield %add3A_226 : vector<16xi32>
        }
        %scan3A_126 = arith.constant 2048 : i32
        %swap3A_127 = arith.constant 0 : index
        %swap3A_128 = tpu.vector_load %arg10[%swap3A_127] {strides = array<i32>} : memref<16xi32, #tpu.memory_space<vmem>>, vector<16xi32>,
        tpu.vector_store %arg10[%swap3A_127], %scan3A_125 {strides = array<i32>} : memref<16xi32, #tpu.memory_space<vmem>>, vector<16xi32>,
        %xor3A_129 = arith.constant 8 : i32
        %xor3A_130 = vector.broadcast %xor3A_129 : i32 to vector<16xi32>
        %xor3A_131 = arith.xori %iota3A, %xor3A_130 : vector<16xi32>
        %gather3A_132 = tpu.vector_load_idx %arg10[%xor3A_131] : memref<16xi32, #tpu.memory_space<vmem>>[vector<16xi32>], vector<16xi32>,
        %add3A_133 = arith.addi %scan3A_125, %gather3A_132 : vector<16xi32>
        %swap3A_134 = arith.constant 0 : index
        %swap3A_135 = tpu.vector_load %arg10[%swap3A_134] {strides = array<i32>} : memref<16xi32, #tpu.memory_space<vmem>>, vector<16xi32>,
        tpu.vector_store %arg10[%swap3A_134], %add3A_133 {strides = array<i32>} : memref<16xi32, #tpu.memory_space<vmem>>, vector<16xi32>,
        %xor3A_136 = arith.constant 4 : i32
        %xor3A_137 = vector.broadcast %xor3A_136 : i32 to vector<16xi32>
        %xor3A_138 = arith.xori %iota3A, %xor3A_137 : vector<16xi32>
        %gather3A_139 = tpu.vector_load_idx %arg10[%xor3A_138] : memref<16xi32, #tpu.memory_space<vmem>>[vector<16xi32>], vector<16xi32>,
        %add3A_140 = arith.addi %add3A_133, %gather3A_139 : vector<16xi32>
        %swap3A_141 = arith.constant 0 : index
        %swap3A_142 = tpu.vector_load %arg10[%swap3A_141] {strides = array<i32>} : memref<16xi32, #tpu.memory_space<vmem>>, vector<16xi32>,
        tpu.vector_store %arg10[%swap3A_141], %add3A_140 {strides = array<i32>} : memref<16xi32, #tpu.memory_space<vmem>>, vector<16xi32>,
        %xor3A_143 = arith.constant 2 : i32
        %xor3A_144 = vector.broadcast %xor3A_143 : i32 to vector<16xi32>
        %xor3A_145 = arith.xori %iota3A, %xor3A_144 : vector<16xi32>
        %gather3A_146 = tpu.vector_load_idx %arg10[%xor3A_145] : memref<16xi32, #tpu.memory_space<vmem>>[vector<16xi32>], vector<16xi32>,
        %add3A_147 = arith.addi %add3A_140, %gather3A_146 : vector<16xi32>
        %swap3A_148 = arith.constant 0 : index
        %swap3A_149 = tpu.vector_load %arg10[%swap3A_148] {strides = array<i32>} : memref<16xi32, #tpu.memory_space<vmem>>, vector<16xi32>,
        tpu.vector_store %arg10[%swap3A_148], %add3A_147 {strides = array<i32>} : memref<16xi32, #tpu.memory_space<vmem>>, vector<16xi32>,
        %xor3A_150 = arith.constant 1 : i32
        %xor3A_151 = vector.broadcast %xor3A_150 : i32 to vector<16xi32>
        %xor3A_152 = arith.xori %iota3A, %xor3A_151 : vector<16xi32>
        %gather3A_153 = tpu.vector_load_idx %arg10[%xor3A_152] : memref<16xi32, #tpu.memory_space<vmem>>[vector<16xi32>], vector<16xi32>,
        %add3A_154 = arith.addi %add3A_147, %gather3A_153 : vector<16xi32>
        %sub3A = arith.subi %add3A_28, %add3A_154 : vector<16xi32>
        %broadcast_in_dim3A_155 = arith.constant 0 : i32
        %broadcast_in_dim3A_156 = vector.broadcast %broadcast_in_dim3A_155 : i32 to vector<16xi32>
        %scan3A_157 = arith.constant 0 : i32
        %scan3A_158 = arith.constant 17 : i32
        %scan3A_159 = arith.addi %scan3A_157, %scan3A_158 : i32
        %scan3A_160 = arith.constant 1 : i32
        %scan3A_161 = scf.for %scan3A_179 = %scan3A_157 to %scan3A_159 step %scan3A_160 iter_args(%scan3A_180 = %broadcast_in_dim3A_156) -> (vector<16xi32>)  : i32 {
          %broadcast_in_dim3A_181 = arith.constant 1 : i32
          %broadcast_in_dim3A_182 = vector.broadcast %broadcast_in_dim3A_181 : i32 to vector<16xi32>
          %sub3A_183 = arith.constant 16 : i32
          %sub3A_184 = arith.subi %sub3A_183, %scan3A_179 : i32
          %shift_left3A = vector.broadcast %sub3A_184 : i32 to vector<16xi32>
          %shift_left3A_185 = arith.shli %broadcast_in_dim3A_182, %shift_left3A : vector<16xi32>
          %or3A = arith.ori %scan3A_180, %shift_left3A_185 : vector<16xi32>
          %broadcast_in_dim3A_186 = arith.constant 0 : i32
          %broadcast_in_dim3A_187 = vector.broadcast %broadcast_in_dim3A_186 : i32 to vector<16xi32>
          %scan3A_188 = arith.constant 0 : i32
          %scan3A_189 = arith.constant 2048 : i32
          %scan3A_190 = arith.addi %scan3A_188, %scan3A_189 : i32
          %scan3A_191 = arith.constant 1 : i32
          %scan3A_192 = scf.for %scan3A_224 = %scan3A_188 to %scan3A_190 step %scan3A_191 iter_args(%scan3A_225 = %broadcast_in_dim3A_187) -> (vector<16xi32>)  : i32 {
            %mul3A_226 = arith.constant 16 : i32
            %mul3A_227 = arith.muli %scan3A_224, %mul3A_226 : i32
            %add3A_228 = vector.broadcast %mul3A_227 : i32 to vector<16xi32>
            %add3A_229 = arith.addi %add3A_228, %iota3A : vector<16xi32>
            %jit3A_230 = arith.constant 8 : i32
            %div3A = arith.divsi %scan3A_224, %jit3A_230 : i32
            %sign3A = arith.constant 0 : i32
            %sign3A_231 = arith.cmpi sgt, %scan3A_224, %sign3A : i32
            %sign3A_232 = arith.extui %sign3A_231 : i1 to i32
            %sign3A_233 = arith.constant 0 : i32
            %sign3A_234 = arith.cmpi slt, %scan3A_224, %sign3A_233 : i32
            %sign3A_235 = arith.extui %sign3A_234 : i1 to i32
            %sign3A_236 = arith.subi %sign3A_232, %sign3A_235 : i32
            %sign3A_237 = arith.constant 0 : i32
            %sign3A_238 = arith.cmpi sgt, %jit3A_230, %sign3A_237 : i32
            %sign3A_239 = arith.extui %sign3A_238 : i1 to i32
            %sign3A_240 = arith.constant 0 : i32
            %sign3A_241 = arith.cmpi slt, %jit3A_230, %sign3A_240 : i32
            %sign3A_242 = arith.extui %sign3A_241 : i1 to i32
            %sign3A_243 = arith.subi %sign3A_239, %sign3A_242 : i32
            %ne3A = arith.cmpi ne, %sign3A_236, %sign3A_243 : i32
            %rem3A = arith.remsi %scan3A_224, %jit3A_230 : i32
            %ne3A_244 = arith.constant 0 : i32
            %ne3A_245 = arith.cmpi ne, %rem3A, %ne3A_244 : i32
            %and3A = arith.andi %ne3A, %ne3A_245 : i1
            %sub3A_246 = arith.constant 1 : i32
            %sub3A_247 = arith.subi %div3A, %sub3A_246 : i32
            %select_n3A_248 = arith.select %and3A, %sub3A_247, %div3A : i32
            %jit3A_249 = arith.constant 8 : i32
            %eq3A = arith.constant 0 : i32
            %eq3A_250 = arith.cmpi eq, %jit3A_249, %eq3A : i32
            %jit3A_251 = arith.constant 1 : i32
            %select_n3A_252 = arith.select %eq3A_250, %jit3A_251, %jit3A_249 : i32
            %rem3A_253 = arith.remsi %scan3A_224, %select_n3A_252 : i32
            %ne3A_254 = arith.constant 0 : i32
            %ne3A_255 = arith.cmpi ne, %rem3A_253, %ne3A_254 : i32
            %lt3A_256 = arith.constant 0 : i32
            %lt3A_257 = arith.cmpi slt, %rem3A_253, %lt3A_256 : i32
            %lt3A_258 = arith.constant 0 : i32
            %lt3A_259 = arith.cmpi slt, %select_n3A_252, %lt3A_258 : i32
            %ne3A_260 = arith.xori %lt3A_257, %lt3A_259 : i1
            %and3A_261 = arith.andi %ne3A_260, %ne3A_255 : i1
            %add3A_262 = arith.addi %rem3A_253, %select_n3A_252 : i32
            %select_n3A_263 = arith.select %and3A_261, %add3A_262, %rem3A_253 : i32
            %mul3A_264 = arith.constant 16 : i32
            %mul3A_265 = arith.muli %select_n3A_263, %mul3A_264 : i32
            %get3A_266 = arith.index_cast %select_n3A_248 : i32 to index
            %get3A_267 = arith.index_cast %mul3A_265 : i32 to index
            %get3A_268 = tpu.vector_load %arg6[%get3A_266, %get3A_267] {strides = array<i32>} : memref<256x128xi32, #tpu.memory_space<vmem>>, vector<16xi32>,
            %eq3A_269 = arith.cmpi eq, %get3A_268, %select_n3A : vector<16xi32>
            %lt3A_270 = arith.cmpi slt, %add3A_229, %or3A : vector<16xi32>
            %and3A_271 = arith.andi %eq3A_269, %lt3A_270 : vector<16xi1>
            %jit3A_272 = arith.constant 1 : i32
            %jit3A_273 = arith.constant 0 : i32
            %broadcast_in_dim3A_274 = vector.broadcast %jit3A_272 : i32 to vector<16xi32>
            %broadcast_in_dim3A_275 = vector.broadcast %jit3A_273 : i32 to vector<16xi32>
            %select_n3A_276 = arith.select %and3A_271, %broadcast_in_dim3A_274, %broadcast_in_dim3A_275 : vector<16xi1>, vector<16xi32>
            %add3A_277 = arith.addi %scan3A_225, %select_n3A_276 : vector<16xi32>
            scf.yield %add3A_277 : vector<16xi32>
          }
          %scan3A_193 = arith.constant 2048 : i32
          %swap3A_194 = arith.constant 0 : index
          %swap3A_195 = tpu.vector_load %arg10[%swap3A_194] {strides = array<i32>} : memref<16xi32, #tpu.memory_space<vmem>>, vector<16xi32>,
          tpu.vector_store %arg10[%swap3A_194], %scan3A_192 {strides = array<i32>} : memref<16xi32, #tpu.memory_space<vmem>>, vector<16xi32>,
          %xor3A_196 = arith.constant 8 : i32
          %xor3A_197 = vector.broadcast %xor3A_196 : i32 to vector<16xi32>
          %xor3A_198 = arith.xori %iota3A, %xor3A_197 : vector<16xi32>
          %gather3A_199 = tpu.vector_load_idx %arg10[%xor3A_198] : memref<16xi32, #tpu.memory_space<vmem>>[vector<16xi32>], vector<16xi32>,
          %add3A_200 = arith.addi %scan3A_192, %gather3A_199 : vector<16xi32>
          %swap3A_201 = arith.constant 0 : index
          %swap3A_202 = tpu.vector_load %arg10[%swap3A_201] {strides = array<i32>} : memref<16xi32, #tpu.memory_space<vmem>>, vector<16xi32>,
          tpu.vector_store %arg10[%swap3A_201], %add3A_200 {strides = array<i32>} : memref<16xi32, #tpu.memory_space<vmem>>, vector<16xi32>,
          %xor3A_203 = arith.constant 4 : i32
          %xor3A_204 = vector.broadcast %xor3A_203 : i32 to vector<16xi32>
          %xor3A_205 = arith.xori %iota3A, %xor3A_204 : vector<16xi32>
          %gather3A_206 = tpu.vector_load_idx %arg10[%xor3A_205] : memref<16xi32, #tpu.memory_space<vmem>>[vector<16xi32>], vector<16xi32>,
          %add3A_207 = arith.addi %add3A_200, %gather3A_206 : vector<16xi32>
          %swap3A_208 = arith.constant 0 : index
          %swap3A_209 = tpu.vector_load %arg10[%swap3A_208] {strides = array<i32>} : memref<16xi32, #tpu.memory_space<vmem>>, vector<16xi32>,
          tpu.vector_store %arg10[%swap3A_208], %add3A_207 {strides = array<i32>} : memref<16xi32, #tpu.memory_space<vmem>>, vector<16xi32>,
          %xor3A_210 = arith.constant 2 : i32
          %xor3A_211 = vector.broadcast %xor3A_210 : i32 to vector<16xi32>
          %xor3A_212 = arith.xori %iota3A, %xor3A_211 : vector<16xi32>
          %gather3A_213 = tpu.vector_load_idx %arg10[%xor3A_212] : memref<16xi32, #tpu.memory_space<vmem>>[vector<16xi32>], vector<16xi32>,
          %add3A_214 = arith.addi %add3A_207, %gather3A_213 : vector<16xi32>
          %swap3A_215 = arith.constant 0 : index
          %swap3A_216 = tpu.vector_load %arg10[%swap3A_215] {strides = array<i32>} : memref<16xi32, #tpu.memory_space<vmem>>, vector<16xi32>,
          tpu.vector_store %arg10[%swap3A_215], %add3A_214 {strides = array<i32>} : memref<16xi32, #tpu.memory_space<vmem>>, vector<16xi32>,
          %xor3A_217 = arith.constant 1 : i32
          %xor3A_218 = vector.broadcast %xor3A_217 : i32 to vector<16xi32>
          %xor3A_219 = arith.xori %iota3A, %xor3A_218 : vector<16xi32>
          %gather3A_220 = tpu.vector_load_idx %arg10[%xor3A_219] : memref<16xi32, #tpu.memory_space<vmem>>[vector<16xi32>], vector<16xi32>,
          %add3A_221 = arith.addi %add3A_214, %gather3A_220 : vector<16xi32>
          %lt3A_222 = arith.cmpi slt, %add3A_221, %sub3A : vector<16xi32>
          %select_n3A_223 = arith.select %lt3A_222, %or3A, %scan3A_180 : vector<16xi1>, vector<16xi32>
          scf.yield %select_n3A_223 : vector<16xi32>
        }
        %scan3A_162 = arith.constant 17 : i32
        %gt3A = arith.constant 0 : i32
        %gt3A_163 = vector.broadcast %gt3A : i32 to vector<16xi32>
        %gt3A_164 = arith.cmpi sgt, %sub3A, %gt3A_163 : vector<16xi32>
        %add3A_165 = arith.constant 1 : i32
        %add3A_166 = vector.broadcast %add3A_165 : i32 to vector<16xi32>
        %add3A_167 = arith.addi %scan3A_161, %add3A_166 : vector<16xi32>
        %jit3A_168 = arith.constant 0 : i32
        %broadcast_in_dim3A_169 = vector.broadcast %jit3A_168 : i32 to vector<16xi32>
        %select_n3A_170 = arith.select %gt3A_164, %add3A_167, %broadcast_in_dim3A_169 : vector<16xi1>, vector<16xi32>
        %broadcast_in_dim3A_171 = arith.constant 0.000000e+00 : f32
        %broadcast_in_dim3A_172 = vector.broadcast %broadcast_in_dim3A_171 : f32 to vector<16xf32>
        %scan3A_173 = arith.constant 0 : i32
        %scan3A_174 = arith.constant 2048 : i32
        %scan3A_175 = arith.addi %scan3A_173, %scan3A_174 : i32
        %scan3A_176 = arith.constant 1 : i32
        %scan3A_177 = scf.for %scan3A_179 = %scan3A_173 to %scan3A_175 step %scan3A_176 iter_args(%scan3A_180 = %broadcast_in_dim3A_172) -> (vector<16xf32>)  : i32 {
          %jit3A_181 = arith.constant 8 : i32
          %div3A = arith.divsi %scan3A_179, %jit3A_181 : i32
          %sign3A = arith.constant 0 : i32
          %sign3A_182 = arith.cmpi sgt, %scan3A_179, %sign3A : i32
          %sign3A_183 = arith.extui %sign3A_182 : i1 to i32
          %sign3A_184 = arith.constant 0 : i32
          %sign3A_185 = arith.cmpi slt, %scan3A_179, %sign3A_184 : i32
          %sign3A_186 = arith.extui %sign3A_185 : i1 to i32
          %sign3A_187 = arith.subi %sign3A_183, %sign3A_186 : i32
          %sign3A_188 = arith.constant 0 : i32
          %sign3A_189 = arith.cmpi sgt, %jit3A_181, %sign3A_188 : i32
          %sign3A_190 = arith.extui %sign3A_189 : i1 to i32
          %sign3A_191 = arith.constant 0 : i32
          %sign3A_192 = arith.cmpi slt, %jit3A_181, %sign3A_191 : i32
          %sign3A_193 = arith.extui %sign3A_192 : i1 to i32
          %sign3A_194 = arith.subi %sign3A_190, %sign3A_193 : i32
          %ne3A = arith.cmpi ne, %sign3A_187, %sign3A_194 : i32
          %rem3A = arith.remsi %scan3A_179, %jit3A_181 : i32
          %ne3A_195 = arith.constant 0 : i32
          %ne3A_196 = arith.cmpi ne, %rem3A, %ne3A_195 : i32
          %and3A = arith.andi %ne3A, %ne3A_196 : i1
          %sub3A_197 = arith.constant 1 : i32
          %sub3A_198 = arith.subi %div3A, %sub3A_197 : i32
          %select_n3A_199 = arith.select %and3A, %sub3A_198, %div3A : i32
          %jit3A_200 = arith.constant 8 : i32
          %eq3A = arith.constant 0 : i32
          %eq3A_201 = arith.cmpi eq, %jit3A_200, %eq3A : i32
          %jit3A_202 = arith.constant 1 : i32
          %select_n3A_203 = arith.select %eq3A_201, %jit3A_202, %jit3A_200 : i32
          %rem3A_204 = arith.remsi %scan3A_179, %select_n3A_203 : i32
          %ne3A_205 = arith.constant 0 : i32
          %ne3A_206 = arith.cmpi ne, %rem3A_204, %ne3A_205 : i32
          %lt3A_207 = arith.constant 0 : i32
          %lt3A_208 = arith.cmpi slt, %rem3A_204, %lt3A_207 : i32
          %lt3A_209 = arith.constant 0 : i32
          %lt3A_210 = arith.cmpi slt, %select_n3A_203, %lt3A_209 : i32
          %ne3A_211 = arith.xori %lt3A_208, %lt3A_210 : i1
          %and3A_212 = arith.andi %ne3A_211, %ne3A_206 : i1
          %add3A_213 = arith.addi %rem3A_204, %select_n3A_203 : i32
          %select_n3A_214 = arith.select %and3A_212, %add3A_213, %rem3A_204 : i32
          %mul3A_215 = arith.constant 16 : i32
          %mul3A_216 = arith.muli %select_n3A_214, %mul3A_215 : i32
          %get3A_217 = arith.index_cast %select_n3A_199 : i32 to index
          %get3A_218 = arith.index_cast %mul3A_216 : i32 to index
          %get3A_219 = tpu.vector_load %arg6[%get3A_217, %get3A_218] {strides = array<i32>} : memref<256x128xi32, #tpu.memory_space<vmem>>, vector<16xi32>,
          %mul3A_220 = arith.constant 16 : i32
          %mul3A_221 = arith.muli %scan3A_179, %mul3A_220 : i32
          %add3A_222 = vector.broadcast %mul3A_221 : i32 to vector<16xi32>
          %add3A_223 = arith.addi %add3A_222, %iota3A : vector<16xi32>
          %gt3A_224 = arith.cmpi sgt, %get3A_219, %select_n3A : vector<16xi32>
          %eq3A_225 = arith.cmpi eq, %get3A_219, %select_n3A : vector<16xi32>
          %lt3A_226 = arith.cmpi slt, %add3A_223, %select_n3A_170 : vector<16xi32>
          %and3A_227 = arith.andi %eq3A_225, %lt3A_226 : vector<16xi1>
          %or3A = arith.ori %gt3A_224, %and3A_227 : vector<16xi1>
          %jit3A_228 = arith.constant 8 : i32
          %div3A_229 = arith.divsi %scan3A_179, %jit3A_228 : i32
          %sign3A_230 = arith.constant 0 : i32
          %sign3A_231 = arith.cmpi sgt, %scan3A_179, %sign3A_230 : i32
          %sign3A_232 = arith.extui %sign3A_231 : i1 to i32
          %sign3A_233 = arith.constant 0 : i32
          %sign3A_234 = arith.cmpi slt, %scan3A_179, %sign3A_233 : i32
          %sign3A_235 = arith.extui %sign3A_234 : i1 to i32
          %sign3A_236 = arith.subi %sign3A_232, %sign3A_235 : i32
          %sign3A_237 = arith.constant 0 : i32
          %sign3A_238 = arith.cmpi sgt, %jit3A_228, %sign3A_237 : i32
          %sign3A_239 = arith.extui %sign3A_238 : i1 to i32
          %sign3A_240 = arith.constant 0 : i32
          %sign3A_241 = arith.cmpi slt, %jit3A_228, %sign3A_240 : i32
          %sign3A_242 = arith.extui %sign3A_241 : i1 to i32
          %sign3A_243 = arith.subi %sign3A_239, %sign3A_242 : i32
          %ne3A_244 = arith.cmpi ne, %sign3A_236, %sign3A_243 : i32
          %rem3A_245 = arith.remsi %scan3A_179, %jit3A_228 : i32
          %ne3A_246 = arith.constant 0 : i32
          %ne3A_247 = arith.cmpi ne, %rem3A_245, %ne3A_246 : i32
          %and3A_248 = arith.andi %ne3A_244, %ne3A_247 : i1
          %sub3A_249 = arith.constant 1 : i32
          %sub3A_250 = arith.subi %div3A_229, %sub3A_249 : i32
          %select_n3A_251 = arith.select %and3A_248, %sub3A_250, %div3A_229 : i32
          %jit3A_252 = arith.constant 8 : i32
          %eq3A_253 = arith.constant 0 : i32
          %eq3A_254 = arith.cmpi eq, %jit3A_252, %eq3A_253 : i32
          %jit3A_255 = arith.constant 1 : i32
          %select_n3A_256 = arith.select %eq3A_254, %jit3A_255, %jit3A_252 : i32
          %rem3A_257 = arith.remsi %scan3A_179, %select_n3A_256 : i32
          %ne3A_258 = arith.constant 0 : i32
          %ne3A_259 = arith.cmpi ne, %rem3A_257, %ne3A_258 : i32
          %lt3A_260 = arith.constant 0 : i32
          %lt3A_261 = arith.cmpi slt, %rem3A_257, %lt3A_260 : i32
          %lt3A_262 = arith.constant 0 : i32
          %lt3A_263 = arith.cmpi slt, %select_n3A_256, %lt3A_262 : i32
          %ne3A_264 = arith.xori %lt3A_261, %lt3A_263 : i1
          %and3A_265 = arith.andi %ne3A_264, %ne3A_259 : i1
          %add3A_266 = arith.addi %rem3A_257, %select_n3A_256 : i32
          %select_n3A_267 = arith.select %and3A_265, %add3A_266, %rem3A_257 : i32
          %mul3A_268 = arith.constant 16 : i32
          %mul3A_269 = arith.muli %select_n3A_267, %mul3A_268 : i32
          %get3A_270 = arith.index_cast %select_n3A_251 : i32 to index
          %get3A_271 = arith.index_cast %mul3A_269 : i32 to index
          %get3A_272 = tpu.vector_load %arg7[%get3A_270, %get3A_271] {strides = array<i32>} : memref<256x128xf32, #tpu.memory_space<vmem>>, vector<16xf32>,
          %max3A = arith.constant 0.000000e+00 : f32
          %max3A_273 = vector.broadcast %max3A : f32 to vector<16xf32>
          %max3A_274 = arith.maximumf %get3A_272, %max3A_273 : vector<16xf32>
          %jit3A_275 = arith.constant 0.000000e+00 : f32
          %broadcast_in_dim3A_276 = vector.broadcast %jit3A_275 : f32 to vector<16xf32>
          %select_n3A_277 = arith.select %or3A, %max3A_274, %broadcast_in_dim3A_276 : vector<16xi1>, vector<16xf32>
          %add3A_278 = arith.addf %scan3A_180, %select_n3A_277 : vector<16xf32>
          scf.yield %add3A_278 : vector<16xf32>
        }
        %scan3A_178 = arith.constant 2048 : i32
        scf.yield %scan3A_177 : vector<16xf32>
      }
      %swap3A_45 = arith.constant 0 : index
      %swap3A_46 = tpu.vector_load %arg11[%swap3A_45] {strides = array<i32>} : memref<16xf32, #tpu.memory_space<vmem>>, vector<16xf32>,
      tpu.vector_store %arg11[%swap3A_45], %cond3A_44 {strides = array<i32>} : memref<16xf32, #tpu.memory_space<vmem>>, vector<16xf32>,
      %xor3A_47 = arith.constant 8 : i32
      %xor3A_48 = vector.broadcast %xor3A_47 : i32 to vector<16xi32>
      %xor3A_49 = arith.xori %iota3A, %xor3A_48 : vector<16xi32>
      %gather3A_50 = tpu.vector_load_idx %arg11[%xor3A_49] : memref<16xf32, #tpu.memory_space<vmem>>[vector<16xi32>], vector<16xf32>,
      %add3A_51 = arith.addf %cond3A_44, %gather3A_50 : vector<16xf32>
      %swap3A_52 = arith.constant 0 : index
      %swap3A_53 = tpu.vector_load %arg11[%swap3A_52] {strides = array<i32>} : memref<16xf32, #tpu.memory_space<vmem>>, vector<16xf32>,
      tpu.vector_store %arg11[%swap3A_52], %add3A_51 {strides = array<i32>} : memref<16xf32, #tpu.memory_space<vmem>>, vector<16xf32>,
      %xor3A_54 = arith.constant 4 : i32
      %xor3A_55 = vector.broadcast %xor3A_54 : i32 to vector<16xi32>
      %xor3A_56 = arith.xori %iota3A, %xor3A_55 : vector<16xi32>
      %gather3A_57 = tpu.vector_load_idx %arg11[%xor3A_56] : memref<16xf32, #tpu.memory_space<vmem>>[vector<16xi32>], vector<16xf32>,
      %add3A_58 = arith.addf %add3A_51, %gather3A_57 : vector<16xf32>
      %swap3A_59 = arith.constant 0 : index
      %swap3A_60 = tpu.vector_load %arg11[%swap3A_59] {strides = array<i32>} : memref<16xf32, #tpu.memory_space<vmem>>, vector<16xf32>,
      tpu.vector_store %arg11[%swap3A_59], %add3A_58 {strides = array<i32>} : memref<16xf32, #tpu.memory_space<vmem>>, vector<16xf32>,
      %xor3A_61 = arith.constant 2 : i32
      %xor3A_62 = vector.broadcast %xor3A_61 : i32 to vector<16xi32>
      %xor3A_63 = arith.xori %iota3A, %xor3A_62 : vector<16xi32>
      %gather3A_64 = tpu.vector_load_idx %arg11[%xor3A_63] : memref<16xf32, #tpu.memory_space<vmem>>[vector<16xi32>], vector<16xf32>,
      %add3A_65 = arith.addf %add3A_58, %gather3A_64 : vector<16xf32>
      %swap3A_66 = arith.constant 0 : index
      %swap3A_67 = tpu.vector_load %arg11[%swap3A_66] {strides = array<i32>} : memref<16xf32, #tpu.memory_space<vmem>>, vector<16xf32>,
      tpu.vector_store %arg11[%swap3A_66], %add3A_65 {strides = array<i32>} : memref<16xf32, #tpu.memory_space<vmem>>, vector<16xf32>,
      %xor3A_68 = arith.constant 1 : i32
      %xor3A_69 = vector.broadcast %xor3A_68 : i32 to vector<16xi32>
      %xor3A_70 = arith.xori %iota3A, %xor3A_69 : vector<16xi32>
      %gather3A_71 = tpu.vector_load_idx %arg11[%xor3A_70] : memref<16xf32, #tpu.memory_space<vmem>>[vector<16xi32>], vector<16xf32>,
      %add3A_72 = arith.addf %add3A_65, %gather3A_71 : vector<16xf32>
      %swap3A_73 = arith.constant 0 : index
      %swap3A_74 = tpu.vector_load %arg9[%swap3A_73] {strides = array<i32>} : memref<128xf32, #tpu.memory_space<vmem>>, vector<16xf32>,
      tpu.vector_store %arg9[%swap3A_73], %add3A_72 {strides = array<i32>} : memref<128xf32, #tpu.memory_space<vmem>>, vector<16xf32>,
      "tpu.region"() ({
        %run_scoped3A = tpu.sem_alloc : memref<!tpu.dma_semaphore, #tpu.memory_space<semaphore_mem>>
        %dma_start3A = arith.constant 0 : i32
        %dma_start3A_75 = tpu.memref_slice %arg5[%add3A, %dma_start3A] : memref<32x128xf32, #tpu.memory_space<hbm>> -> memref<1x128xf32, #tpu.memory_space<hbm>>
        %dma_start3A_76 = tpu.memref_squeeze %dma_start3A_75 : memref<1x128xf32, #tpu.memory_space<hbm>> -> memref<128xf32, #tpu.memory_space<hbm>>
        %dma_start3A_77 = arith.constant 0 : i32
        %dma_start3A_78 = tpu.memref_slice %arg5[%add3A, %dma_start3A_77] : memref<32x128xf32, #tpu.memory_space<hbm>> -> memref<1x128xf32, #tpu.memory_space<hbm>>
        %dma_start3A_79 = tpu.memref_squeeze %dma_start3A_78 : memref<1x128xf32, #tpu.memory_space<hbm>> -> memref<128xf32, #tpu.memory_space<hbm>>
        tpu.enqueue_dma source(%arg9 : memref<128xf32, #tpu.memory_space<vmem>>) target(%dma_start3A_79 : memref<128xf32, #tpu.memory_space<hbm>>) target_semaphore(%run_scoped3A : memref<!tpu.dma_semaphore, #tpu.memory_space<semaphore_mem>>)
        %dma_wait3A = arith.constant 0 : i32
        %dma_wait3A_80 = tpu.memref_slice %arg5[%add3A, %dma_wait3A] : memref<32x128xf32, #tpu.memory_space<hbm>> -> memref<1x128xf32, #tpu.memory_space<hbm>>
        %dma_wait3A_81 = tpu.memref_squeeze %dma_wait3A_80 : memref<1x128xf32, #tpu.memory_space<hbm>> -> memref<128xf32, #tpu.memory_space<hbm>>
        %dma_wait3A_82 = arith.constant 0 : i32
        %dma_wait3A_83 = tpu.memref_slice %arg5[%add3A, %dma_wait3A_82] : memref<32x128xf32, #tpu.memory_space<hbm>> -> memref<1x128xf32, #tpu.memory_space<hbm>>
        %dma_wait3A_84 = tpu.memref_squeeze %dma_wait3A_83 : memref<1x128xf32, #tpu.memory_space<hbm>> -> memref<128xf32, #tpu.memory_space<hbm>>
        tpu.wait_dma2 semaphore(%run_scoped3A : memref<!tpu.dma_semaphore, #tpu.memory_space<semaphore_mem>>) src(%arg9 : memref<128xf32, #tpu.memory_space<vmem>>) dst(%dma_wait3A_84 : memref<128xf32, #tpu.memory_space<hbm>>)
        tpu.yield
      }) : () -> ()
    } else {
    }
    return
  }
}

module attributes {stable_mosaic.version = 14 : i64} {
  func.func @_dense_kernel(%arg0: i32, %arg1: memref<32x21x2048xf32, #tpu.memory_space<vmem>>, %arg2: memref<32x4x2048xf32, #tpu.memory_space<vmem>>, %arg3: memref<32x4x2048xf32, #tpu.memory_space<vmem>>, %arg4: memref<32x32768xi32, #tpu.memory_space<vmem>>, %arg5: memref<32x32768xi32, #tpu.memory_space<vmem>>, %arg6: memref<32x16x128xi32, #tpu.memory_space<vmem>>, %arg7: memref<32x16x128xf32, #tpu.memory_space<vmem>>, %arg8: memref<32x128xi32, #tpu.memory_space<vmem>>, %arg9: memref<1x4xf32, #tpu.memory_space<smem>>, %arg10: memref<32x2048xi32, #tpu.memory_space<vmem>>, %arg11: memref<32x2048xf32, #tpu.memory_space<vmem>>, %arg12: memref<32x2048xf32, #tpu.memory_space<vmem>>) attributes {dimension_semantics = [#tpu.dimension_semantics<arbitrary>], iteration_bounds = array<i64: 16>, scalar_prefetch = 0 : i64, scratch_operands = 3 : i64, tpu.core_type = #tpu.core_type<tc>, window_params = [{transform_indices = @transform_0, window_bounds = array<i64: 32, 21, 2048>}, {transform_indices = @transform_1, window_bounds = array<i64: 32, 4, 2048>}, {transform_indices = @transform_2, window_bounds = array<i64: 32, 4, 2048>}, {pipeline_mode = #tpu.pipeline_mode<synchronous>, transform_indices = @transform_3, window_bounds = array<i64: 32, 32768>}, {pipeline_mode = #tpu.pipeline_mode<synchronous>, transform_indices = @transform_4, window_bounds = array<i64: 32, 32768>}, {transform_indices = @transform_5, window_bounds = array<i64: 32, 16, 128>}, {transform_indices = @transform_6, window_bounds = array<i64: 32, 16, 128>}, {pipeline_mode = #tpu.pipeline_mode<synchronous>, transform_indices = @transform_7, window_bounds = array<i64: 32, 128>}, {transform_indices = @transform_8, window_bounds = array<i64: 1, 4>}]} {
    %eq3A = arith.constant 0 : i32
    %eq3A_0 = arith.cmpi eq, %arg0, %eq3A : i32
    %convert_element_type3A = arith.extui %eq3A_0 : i1 to i32
    %cond3A = arith.constant 0 : i32
    %cond3A_1 = arith.cmpi ne, %convert_element_type3A, %cond3A : i32
    scf.if %cond3A_1 {
      %broadcast_in_dim3A_308 = arith.constant 0 : i32
      %broadcast_in_dim3A_309 = vector.broadcast %broadcast_in_dim3A_308 : i32 to vector<32x2048xi32>
      %swap3A_310 = arith.constant 0 : index
      %swap3A_311 = arith.constant 0 : index
      %swap3A_312 = vector.load %arg10[%swap3A_310, %swap3A_311] : memref<32x2048xi32, #tpu.memory_space<vmem>>, vector<32x2048xi32>
      tpu.vector_store %arg10[%swap3A_310, %swap3A_311], %broadcast_in_dim3A_309 {strides = array<i32>} : memref<32x2048xi32, #tpu.memory_space<vmem>>, vector<32x2048xi32>,
      %broadcast_in_dim3A_313 = arith.constant 0.000000e+00 : f32
      %broadcast_in_dim3A_314 = vector.broadcast %broadcast_in_dim3A_313 : f32 to vector<32x2048xf32>
      %swap3A_315 = arith.constant 0 : index
      %swap3A_316 = arith.constant 0 : index
      %swap3A_317 = vector.load %arg11[%swap3A_315, %swap3A_316] : memref<32x2048xf32, #tpu.memory_space<vmem>>, vector<32x2048xf32>
      tpu.vector_store %arg11[%swap3A_315, %swap3A_316], %broadcast_in_dim3A_314 {strides = array<i32>} : memref<32x2048xf32, #tpu.memory_space<vmem>>, vector<32x2048xf32>,
      %broadcast_in_dim3A_318 = arith.constant 0.000000e+00 : f32
      %broadcast_in_dim3A_319 = vector.broadcast %broadcast_in_dim3A_318 : f32 to vector<32x2048xf32>
      %swap3A_320 = arith.constant 0 : index
      %swap3A_321 = arith.constant 0 : index
      %swap3A_322 = vector.load %arg12[%swap3A_320, %swap3A_321] : memref<32x2048xf32, #tpu.memory_space<vmem>>, vector<32x2048xf32>
      tpu.vector_store %arg12[%swap3A_320, %swap3A_321], %broadcast_in_dim3A_319 {strides = array<i32>} : memref<32x2048xf32, #tpu.memory_space<vmem>>, vector<32x2048xf32>,
    } else {
    }
    %get3A = arith.constant 0 : index
    %get3A_2 = arith.constant 0 : index
    %get3A_3 = arith.constant 0 : index
    %get3A_4 = vector.load %arg1[%get3A, %get3A_2, %get3A_3] : memref<32x21x2048xf32, #tpu.memory_space<vmem>>, vector<32x21x2048xf32>
    %mul3A = arith.constant 2048 : i32
    %mul3A_5 = arith.muli %arg0, %mul3A : i32
    %get3A_6 = arith.constant 0 : index
    %get3A_7 = arith.index_cast %mul3A_5 : i32 to index
    %get3A_8 = vector.load %arg4[%get3A_6, %get3A_7] : memref<32x32768xi32, #tpu.memory_space<vmem>>, vector<32x2048xi32>
    %mul3A_9 = arith.constant 2048 : i32
    %mul3A_10 = arith.muli %arg0, %mul3A_9 : i32
    %get3A_11 = arith.constant 0 : index
    %get3A_12 = arith.index_cast %mul3A_10 : i32 to index
    %get3A_13 = vector.load %arg5[%get3A_11, %get3A_12] : memref<32x32768xi32, #tpu.memory_space<vmem>>, vector<32x2048xi32>
    %exp3A = math.exp %get3A_4 : vector<32x21x2048xf32>
    %reduce_sum3A = arith.constant dense<0.000000e+00> : vector<32x2048xf32>
    %reduce_sum3A_14 = vector.multi_reduction <add>, %exp3A, %reduce_sum3A [1] : vector<32x21x2048xf32> to vector<32x2048xf32>
    %log3A = math.log %reduce_sum3A_14 : vector<32x2048xf32>
    %iota3A = tpu.iota {dimensions = array<i32: 1>} : vector<32x21x2048xi32>
    %broadcast_in_dim3A = vector.shape_cast %get3A_8 : vector<32x2048xi32> to vector<32x1x2048xi32>
    %eq3A_15 = vector.broadcast %broadcast_in_dim3A : vector<32x1x2048xi32> to vector<32x21x2048xi32>
    %eq3A_16 = arith.cmpi eq, %iota3A, %eq3A_15 : vector<32x21x2048xi32>
    %jit3A = arith.constant 0.000000e+00 : f32
    %broadcast_in_dim3A_17 = vector.broadcast %jit3A : f32 to vector<32x21x2048xf32>
    %select_n3A = arith.select %eq3A_16, %get3A_4, %broadcast_in_dim3A_17 : vector<32x21x2048xi1>, vector<32x21x2048xf32>
    %reduce_sum3A_18 = arith.constant dense<0.000000e+00> : vector<32x2048xf32>
    %reduce_sum3A_19 = vector.multi_reduction <add>, %select_n3A, %reduce_sum3A_18 [1] : vector<32x21x2048xf32> to vector<32x2048xf32>
    %slice3A = vector.extract_strided_slice %get3A_4 {offsets = [0, 0, 0], sizes = [32, 1, 2048], strides = [1, 1, 1]} : vector<32x21x2048xf32> to vector<32x1x2048xf32>
    %squeeze3A = vector.shape_cast %slice3A : vector<32x1x2048xf32> to vector<32x2048xf32>
    %sub3A = arith.subf %log3A, %squeeze3A : vector<32x2048xf32>
    %sub3A_20 = arith.subf %log3A, %reduce_sum3A_19 : vector<32x2048xf32>
    %gt3A = arith.constant 0 : i32
    %gt3A_21 = vector.broadcast %gt3A : i32 to vector<32x2048xi32>
    %gt3A_22 = arith.cmpi sgt, %get3A_8, %gt3A_21 : vector<32x2048xi32>
    %gt3A_23 = arith.constant 0 : i32
    %gt3A_24 = vector.broadcast %gt3A_23 : i32 to vector<32x2048xi32>
    %gt3A_25 = arith.cmpi sgt, %get3A_13, %gt3A_24 : vector<32x2048xi32>
    %or3A = arith.ori %gt3A_22, %gt3A_25 : vector<32x2048xi1>
    %bitcast_convert_type3A = tpu.bitcast %sub3A : vector<32x2048xf32> -> vector<32x2048xi32>
    %jit3A_26 = arith.constant -1 : i32
    %broadcast_in_dim3A_27 = vector.broadcast %jit3A_26 : i32 to vector<32x2048xi32>
    %select_n3A_28 = arith.select %or3A, %broadcast_in_dim3A_27, %bitcast_convert_type3A : vector<32x2048xi1>, vector<32x2048xi32>
    %neg3A = arith.constant 0.000000e+00 : f32
    %neg3A_29 = vector.broadcast %neg3A : f32 to vector<32x2048xf32>
    %neg3A_30 = arith.subf %neg3A_29, %sub3A_20 : vector<32x2048xf32>
    %select_n3A_31 = arith.select %gt3A_22, %neg3A_30, %sub3A_20 : vector<32x2048xi1>, vector<32x2048xf32>
    %slice3A_32 = vector.extract_strided_slice %select_n3A_28 {offsets = [0, 0], sizes = [32, 128], strides = [1, 1]} : vector<32x2048xi32> to vector<32x128xi32>
    %swap3A = arith.constant 0 : index
    %swap3A_33 = arith.constant 0 : index
    %swap3A_34 = arith.constant 0 : index
    %swap3A_35 = vector.load %arg6[%swap3A, %swap3A_33, %swap3A_34] : memref<32x16x128xi32, #tpu.memory_space<vmem>>, vector<32x1x128xi32>
    %swap3A_36 = vector.shape_cast %swap3A_35 : vector<32x1x128xi32> to vector<32x128xi32>
    %swap3A_37 = vector.shape_cast %slice3A_32 : vector<32x128xi32> to vector<32x1x128xi32>
    tpu.vector_store %arg6[%swap3A, %swap3A_33, %swap3A_34], %swap3A_37 {strides = array<i32>} : memref<32x16x128xi32, #tpu.memory_space<vmem>>, vector<32x1x128xi32>,
    %slice3A_38 = vector.extract_strided_slice %select_n3A_31 {offsets = [0, 0], sizes = [32, 128], strides = [1, 1]} : vector<32x2048xf32> to vector<32x128xf32>
    %swap3A_39 = arith.constant 0 : index
    %swap3A_40 = arith.constant 0 : index
    %swap3A_41 = arith.constant 0 : index
    %swap3A_42 = vector.load %arg7[%swap3A_39, %swap3A_40, %swap3A_41] : memref<32x16x128xf32, #tpu.memory_space<vmem>>, vector<32x1x128xf32>
    %swap3A_43 = vector.shape_cast %swap3A_42 : vector<32x1x128xf32> to vector<32x128xf32>
    %swap3A_44 = vector.shape_cast %slice3A_38 : vector<32x128xf32> to vector<32x1x128xf32>
    tpu.vector_store %arg7[%swap3A_39, %swap3A_40, %swap3A_41], %swap3A_44 {strides = array<i32>} : memref<32x16x128xf32, #tpu.memory_space<vmem>>, vector<32x1x128xf32>,
    %slice3A_45 = vector.extract_strided_slice %select_n3A_28 {offsets = [0, 128], sizes = [32, 128], strides = [1, 1]} : vector<32x2048xi32> to vector<32x128xi32>
    %swap3A_46 = arith.constant 0 : index
    %swap3A_47 = arith.constant 1 : index
    %swap3A_48 = arith.constant 0 : index
    %swap3A_49 = vector.load %arg6[%swap3A_46, %swap3A_47, %swap3A_48] : memref<32x16x128xi32, #tpu.memory_space<vmem>>, vector<32x1x128xi32>
    %swap3A_50 = vector.shape_cast %swap3A_49 : vector<32x1x128xi32> to vector<32x128xi32>
    %swap3A_51 = vector.shape_cast %slice3A_45 : vector<32x128xi32> to vector<32x1x128xi32>
    tpu.vector_store %arg6[%swap3A_46, %swap3A_47, %swap3A_48], %swap3A_51 {strides = array<i32>} : memref<32x16x128xi32, #tpu.memory_space<vmem>>, vector<32x1x128xi32>,
    %slice3A_52 = vector.extract_strided_slice %select_n3A_31 {offsets = [0, 128], sizes = [32, 128], strides = [1, 1]} : vector<32x2048xf32> to vector<32x128xf32>
    %swap3A_53 = arith.constant 0 : index
    %swap3A_54 = arith.constant 1 : index
    %swap3A_55 = arith.constant 0 : index
    %swap3A_56 = vector.load %arg7[%swap3A_53, %swap3A_54, %swap3A_55] : memref<32x16x128xf32, #tpu.memory_space<vmem>>, vector<32x1x128xf32>
    %swap3A_57 = vector.shape_cast %swap3A_56 : vector<32x1x128xf32> to vector<32x128xf32>
    %swap3A_58 = vector.shape_cast %slice3A_52 : vector<32x128xf32> to vector<32x1x128xf32>
    tpu.vector_store %arg7[%swap3A_53, %swap3A_54, %swap3A_55], %swap3A_58 {strides = array<i32>} : memref<32x16x128xf32, #tpu.memory_space<vmem>>, vector<32x1x128xf32>,
    %slice3A_59 = vector.extract_strided_slice %select_n3A_28 {offsets = [0, 256], sizes = [32, 128], strides = [1, 1]} : vector<32x2048xi32> to vector<32x128xi32>
    %swap3A_60 = arith.constant 0 : index
    %swap3A_61 = arith.constant 2 : index
    %swap3A_62 = arith.constant 0 : index
    %swap3A_63 = vector.load %arg6[%swap3A_60, %swap3A_61, %swap3A_62] : memref<32x16x128xi32, #tpu.memory_space<vmem>>, vector<32x1x128xi32>
    %swap3A_64 = vector.shape_cast %swap3A_63 : vector<32x1x128xi32> to vector<32x128xi32>
    %swap3A_65 = vector.shape_cast %slice3A_59 : vector<32x128xi32> to vector<32x1x128xi32>
    tpu.vector_store %arg6[%swap3A_60, %swap3A_61, %swap3A_62], %swap3A_65 {strides = array<i32>} : memref<32x16x128xi32, #tpu.memory_space<vmem>>, vector<32x1x128xi32>,
    %slice3A_66 = vector.extract_strided_slice %select_n3A_31 {offsets = [0, 256], sizes = [32, 128], strides = [1, 1]} : vector<32x2048xf32> to vector<32x128xf32>
    %swap3A_67 = arith.constant 0 : index
    %swap3A_68 = arith.constant 2 : index
    %swap3A_69 = arith.constant 0 : index
    %swap3A_70 = vector.load %arg7[%swap3A_67, %swap3A_68, %swap3A_69] : memref<32x16x128xf32, #tpu.memory_space<vmem>>, vector<32x1x128xf32>
    %swap3A_71 = vector.shape_cast %swap3A_70 : vector<32x1x128xf32> to vector<32x128xf32>
    %swap3A_72 = vector.shape_cast %slice3A_66 : vector<32x128xf32> to vector<32x1x128xf32>
    tpu.vector_store %arg7[%swap3A_67, %swap3A_68, %swap3A_69], %swap3A_72 {strides = array<i32>} : memref<32x16x128xf32, #tpu.memory_space<vmem>>, vector<32x1x128xf32>,
    %slice3A_73 = vector.extract_strided_slice %select_n3A_28 {offsets = [0, 384], sizes = [32, 128], strides = [1, 1]} : vector<32x2048xi32> to vector<32x128xi32>
    %swap3A_74 = arith.constant 0 : index
    %swap3A_75 = arith.constant 3 : index
    %swap3A_76 = arith.constant 0 : index
    %swap3A_77 = vector.load %arg6[%swap3A_74, %swap3A_75, %swap3A_76] : memref<32x16x128xi32, #tpu.memory_space<vmem>>, vector<32x1x128xi32>
    %swap3A_78 = vector.shape_cast %swap3A_77 : vector<32x1x128xi32> to vector<32x128xi32>
    %swap3A_79 = vector.shape_cast %slice3A_73 : vector<32x128xi32> to vector<32x1x128xi32>
    tpu.vector_store %arg6[%swap3A_74, %swap3A_75, %swap3A_76], %swap3A_79 {strides = array<i32>} : memref<32x16x128xi32, #tpu.memory_space<vmem>>, vector<32x1x128xi32>,
    %slice3A_80 = vector.extract_strided_slice %select_n3A_31 {offsets = [0, 384], sizes = [32, 128], strides = [1, 1]} : vector<32x2048xf32> to vector<32x128xf32>
    %swap3A_81 = arith.constant 0 : index
    %swap3A_82 = arith.constant 3 : index
    %swap3A_83 = arith.constant 0 : index
    %swap3A_84 = vector.load %arg7[%swap3A_81, %swap3A_82, %swap3A_83] : memref<32x16x128xf32, #tpu.memory_space<vmem>>, vector<32x1x128xf32>
    %swap3A_85 = vector.shape_cast %swap3A_84 : vector<32x1x128xf32> to vector<32x128xf32>
    %swap3A_86 = vector.shape_cast %slice3A_80 : vector<32x128xf32> to vector<32x1x128xf32>
    tpu.vector_store %arg7[%swap3A_81, %swap3A_82, %swap3A_83], %swap3A_86 {strides = array<i32>} : memref<32x16x128xf32, #tpu.memory_space<vmem>>, vector<32x1x128xf32>,
    %slice3A_87 = vector.extract_strided_slice %select_n3A_28 {offsets = [0, 512], sizes = [32, 128], strides = [1, 1]} : vector<32x2048xi32> to vector<32x128xi32>
    %swap3A_88 = arith.constant 0 : index
    %swap3A_89 = arith.constant 4 : index
    %swap3A_90 = arith.constant 0 : index
    %swap3A_91 = vector.load %arg6[%swap3A_88, %swap3A_89, %swap3A_90] : memref<32x16x128xi32, #tpu.memory_space<vmem>>, vector<32x1x128xi32>
    %swap3A_92 = vector.shape_cast %swap3A_91 : vector<32x1x128xi32> to vector<32x128xi32>
    %swap3A_93 = vector.shape_cast %slice3A_87 : vector<32x128xi32> to vector<32x1x128xi32>
    tpu.vector_store %arg6[%swap3A_88, %swap3A_89, %swap3A_90], %swap3A_93 {strides = array<i32>} : memref<32x16x128xi32, #tpu.memory_space<vmem>>, vector<32x1x128xi32>,
    %slice3A_94 = vector.extract_strided_slice %select_n3A_31 {offsets = [0, 512], sizes = [32, 128], strides = [1, 1]} : vector<32x2048xf32> to vector<32x128xf32>
    %swap3A_95 = arith.constant 0 : index
    %swap3A_96 = arith.constant 4 : index
    %swap3A_97 = arith.constant 0 : index
    %swap3A_98 = vector.load %arg7[%swap3A_95, %swap3A_96, %swap3A_97] : memref<32x16x128xf32, #tpu.memory_space<vmem>>, vector<32x1x128xf32>
    %swap3A_99 = vector.shape_cast %swap3A_98 : vector<32x1x128xf32> to vector<32x128xf32>
    %swap3A_100 = vector.shape_cast %slice3A_94 : vector<32x128xf32> to vector<32x1x128xf32>
    tpu.vector_store %arg7[%swap3A_95, %swap3A_96, %swap3A_97], %swap3A_100 {strides = array<i32>} : memref<32x16x128xf32, #tpu.memory_space<vmem>>, vector<32x1x128xf32>,
    %slice3A_101 = vector.extract_strided_slice %select_n3A_28 {offsets = [0, 640], sizes = [32, 128], strides = [1, 1]} : vector<32x2048xi32> to vector<32x128xi32>
    %swap3A_102 = arith.constant 0 : index
    %swap3A_103 = arith.constant 5 : index
    %swap3A_104 = arith.constant 0 : index
    %swap3A_105 = vector.load %arg6[%swap3A_102, %swap3A_103, %swap3A_104] : memref<32x16x128xi32, #tpu.memory_space<vmem>>, vector<32x1x128xi32>
    %swap3A_106 = vector.shape_cast %swap3A_105 : vector<32x1x128xi32> to vector<32x128xi32>
    %swap3A_107 = vector.shape_cast %slice3A_101 : vector<32x128xi32> to vector<32x1x128xi32>
    tpu.vector_store %arg6[%swap3A_102, %swap3A_103, %swap3A_104], %swap3A_107 {strides = array<i32>} : memref<32x16x128xi32, #tpu.memory_space<vmem>>, vector<32x1x128xi32>,
    %slice3A_108 = vector.extract_strided_slice %select_n3A_31 {offsets = [0, 640], sizes = [32, 128], strides = [1, 1]} : vector<32x2048xf32> to vector<32x128xf32>
    %swap3A_109 = arith.constant 0 : index
    %swap3A_110 = arith.constant 5 : index
    %swap3A_111 = arith.constant 0 : index
    %swap3A_112 = vector.load %arg7[%swap3A_109, %swap3A_110, %swap3A_111] : memref<32x16x128xf32, #tpu.memory_space<vmem>>, vector<32x1x128xf32>
    %swap3A_113 = vector.shape_cast %swap3A_112 : vector<32x1x128xf32> to vector<32x128xf32>
    %swap3A_114 = vector.shape_cast %slice3A_108 : vector<32x128xf32> to vector<32x1x128xf32>
    tpu.vector_store %arg7[%swap3A_109, %swap3A_110, %swap3A_111], %swap3A_114 {strides = array<i32>} : memref<32x16x128xf32, #tpu.memory_space<vmem>>, vector<32x1x128xf32>,
    %slice3A_115 = vector.extract_strided_slice %select_n3A_28 {offsets = [0, 768], sizes = [32, 128], strides = [1, 1]} : vector<32x2048xi32> to vector<32x128xi32>
    %swap3A_116 = arith.constant 0 : index
    %swap3A_117 = arith.constant 6 : index
    %swap3A_118 = arith.constant 0 : index
    %swap3A_119 = vector.load %arg6[%swap3A_116, %swap3A_117, %swap3A_118] : memref<32x16x128xi32, #tpu.memory_space<vmem>>, vector<32x1x128xi32>
    %swap3A_120 = vector.shape_cast %swap3A_119 : vector<32x1x128xi32> to vector<32x128xi32>
    %swap3A_121 = vector.shape_cast %slice3A_115 : vector<32x128xi32> to vector<32x1x128xi32>
    tpu.vector_store %arg6[%swap3A_116, %swap3A_117, %swap3A_118], %swap3A_121 {strides = array<i32>} : memref<32x16x128xi32, #tpu.memory_space<vmem>>, vector<32x1x128xi32>,
    %slice3A_122 = vector.extract_strided_slice %select_n3A_31 {offsets = [0, 768], sizes = [32, 128], strides = [1, 1]} : vector<32x2048xf32> to vector<32x128xf32>
    %swap3A_123 = arith.constant 0 : index
    %swap3A_124 = arith.constant 6 : index
    %swap3A_125 = arith.constant 0 : index
    %swap3A_126 = vector.load %arg7[%swap3A_123, %swap3A_124, %swap3A_125] : memref<32x16x128xf32, #tpu.memory_space<vmem>>, vector<32x1x128xf32>
    %swap3A_127 = vector.shape_cast %swap3A_126 : vector<32x1x128xf32> to vector<32x128xf32>
    %swap3A_128 = vector.shape_cast %slice3A_122 : vector<32x128xf32> to vector<32x1x128xf32>
    tpu.vector_store %arg7[%swap3A_123, %swap3A_124, %swap3A_125], %swap3A_128 {strides = array<i32>} : memref<32x16x128xf32, #tpu.memory_space<vmem>>, vector<32x1x128xf32>,
    %slice3A_129 = vector.extract_strided_slice %select_n3A_28 {offsets = [0, 896], sizes = [32, 128], strides = [1, 1]} : vector<32x2048xi32> to vector<32x128xi32>
    %swap3A_130 = arith.constant 0 : index
    %swap3A_131 = arith.constant 7 : index
    %swap3A_132 = arith.constant 0 : index
    %swap3A_133 = vector.load %arg6[%swap3A_130, %swap3A_131, %swap3A_132] : memref<32x16x128xi32, #tpu.memory_space<vmem>>, vector<32x1x128xi32>
    %swap3A_134 = vector.shape_cast %swap3A_133 : vector<32x1x128xi32> to vector<32x128xi32>
    %swap3A_135 = vector.shape_cast %slice3A_129 : vector<32x128xi32> to vector<32x1x128xi32>
    tpu.vector_store %arg6[%swap3A_130, %swap3A_131, %swap3A_132], %swap3A_135 {strides = array<i32>} : memref<32x16x128xi32, #tpu.memory_space<vmem>>, vector<32x1x128xi32>,
    %slice3A_136 = vector.extract_strided_slice %select_n3A_31 {offsets = [0, 896], sizes = [32, 128], strides = [1, 1]} : vector<32x2048xf32> to vector<32x128xf32>
    %swap3A_137 = arith.constant 0 : index
    %swap3A_138 = arith.constant 7 : index
    %swap3A_139 = arith.constant 0 : index
    %swap3A_140 = vector.load %arg7[%swap3A_137, %swap3A_138, %swap3A_139] : memref<32x16x128xf32, #tpu.memory_space<vmem>>, vector<32x1x128xf32>
    %swap3A_141 = vector.shape_cast %swap3A_140 : vector<32x1x128xf32> to vector<32x128xf32>
    %swap3A_142 = vector.shape_cast %slice3A_136 : vector<32x128xf32> to vector<32x1x128xf32>
    tpu.vector_store %arg7[%swap3A_137, %swap3A_138, %swap3A_139], %swap3A_142 {strides = array<i32>} : memref<32x16x128xf32, #tpu.memory_space<vmem>>, vector<32x1x128xf32>,
    %slice3A_143 = vector.extract_strided_slice %select_n3A_28 {offsets = [0, 1024], sizes = [32, 128], strides = [1, 1]} : vector<32x2048xi32> to vector<32x128xi32>
    %swap3A_144 = arith.constant 0 : index
    %swap3A_145 = arith.constant 8 : index
    %swap3A_146 = arith.constant 0 : index
    %swap3A_147 = vector.load %arg6[%swap3A_144, %swap3A_145, %swap3A_146] : memref<32x16x128xi32, #tpu.memory_space<vmem>>, vector<32x1x128xi32>
    %swap3A_148 = vector.shape_cast %swap3A_147 : vector<32x1x128xi32> to vector<32x128xi32>
    %swap3A_149 = vector.shape_cast %slice3A_143 : vector<32x128xi32> to vector<32x1x128xi32>
    tpu.vector_store %arg6[%swap3A_144, %swap3A_145, %swap3A_146], %swap3A_149 {strides = array<i32>} : memref<32x16x128xi32, #tpu.memory_space<vmem>>, vector<32x1x128xi32>,
    %slice3A_150 = vector.extract_strided_slice %select_n3A_31 {offsets = [0, 1024], sizes = [32, 128], strides = [1, 1]} : vector<32x2048xf32> to vector<32x128xf32>
    %swap3A_151 = arith.constant 0 : index
    %swap3A_152 = arith.constant 8 : index
    %swap3A_153 = arith.constant 0 : index
    %swap3A_154 = vector.load %arg7[%swap3A_151, %swap3A_152, %swap3A_153] : memref<32x16x128xf32, #tpu.memory_space<vmem>>, vector<32x1x128xf32>
    %swap3A_155 = vector.shape_cast %swap3A_154 : vector<32x1x128xf32> to vector<32x128xf32>
    %swap3A_156 = vector.shape_cast %slice3A_150 : vector<32x128xf32> to vector<32x1x128xf32>
    tpu.vector_store %arg7[%swap3A_151, %swap3A_152, %swap3A_153], %swap3A_156 {strides = array<i32>} : memref<32x16x128xf32, #tpu.memory_space<vmem>>, vector<32x1x128xf32>,
    %slice3A_157 = vector.extract_strided_slice %select_n3A_28 {offsets = [0, 1152], sizes = [32, 128], strides = [1, 1]} : vector<32x2048xi32> to vector<32x128xi32>
    %swap3A_158 = arith.constant 0 : index
    %swap3A_159 = arith.constant 9 : index
    %swap3A_160 = arith.constant 0 : index
    %swap3A_161 = vector.load %arg6[%swap3A_158, %swap3A_159, %swap3A_160] : memref<32x16x128xi32, #tpu.memory_space<vmem>>, vector<32x1x128xi32>
    %swap3A_162 = vector.shape_cast %swap3A_161 : vector<32x1x128xi32> to vector<32x128xi32>
    %swap3A_163 = vector.shape_cast %slice3A_157 : vector<32x128xi32> to vector<32x1x128xi32>
    tpu.vector_store %arg6[%swap3A_158, %swap3A_159, %swap3A_160], %swap3A_163 {strides = array<i32>} : memref<32x16x128xi32, #tpu.memory_space<vmem>>, vector<32x1x128xi32>,
    %slice3A_164 = vector.extract_strided_slice %select_n3A_31 {offsets = [0, 1152], sizes = [32, 128], strides = [1, 1]} : vector<32x2048xf32> to vector<32x128xf32>
    %swap3A_165 = arith.constant 0 : index
    %swap3A_166 = arith.constant 9 : index
    %swap3A_167 = arith.constant 0 : index
    %swap3A_168 = vector.load %arg7[%swap3A_165, %swap3A_166, %swap3A_167] : memref<32x16x128xf32, #tpu.memory_space<vmem>>, vector<32x1x128xf32>
    %swap3A_169 = vector.shape_cast %swap3A_168 : vector<32x1x128xf32> to vector<32x128xf32>
    %swap3A_170 = vector.shape_cast %slice3A_164 : vector<32x128xf32> to vector<32x1x128xf32>
    tpu.vector_store %arg7[%swap3A_165, %swap3A_166, %swap3A_167], %swap3A_170 {strides = array<i32>} : memref<32x16x128xf32, #tpu.memory_space<vmem>>, vector<32x1x128xf32>,
    %slice3A_171 = vector.extract_strided_slice %select_n3A_28 {offsets = [0, 1280], sizes = [32, 128], strides = [1, 1]} : vector<32x2048xi32> to vector<32x128xi32>
    %swap3A_172 = arith.constant 0 : index
    %swap3A_173 = arith.constant 10 : index
    %swap3A_174 = arith.constant 0 : index
    %swap3A_175 = vector.load %arg6[%swap3A_172, %swap3A_173, %swap3A_174] : memref<32x16x128xi32, #tpu.memory_space<vmem>>, vector<32x1x128xi32>
    %swap3A_176 = vector.shape_cast %swap3A_175 : vector<32x1x128xi32> to vector<32x128xi32>
    %swap3A_177 = vector.shape_cast %slice3A_171 : vector<32x128xi32> to vector<32x1x128xi32>
    tpu.vector_store %arg6[%swap3A_172, %swap3A_173, %swap3A_174], %swap3A_177 {strides = array<i32>} : memref<32x16x128xi32, #tpu.memory_space<vmem>>, vector<32x1x128xi32>,
    %slice3A_178 = vector.extract_strided_slice %select_n3A_31 {offsets = [0, 1280], sizes = [32, 128], strides = [1, 1]} : vector<32x2048xf32> to vector<32x128xf32>
    %swap3A_179 = arith.constant 0 : index
    %swap3A_180 = arith.constant 10 : index
    %swap3A_181 = arith.constant 0 : index
    %swap3A_182 = vector.load %arg7[%swap3A_179, %swap3A_180, %swap3A_181] : memref<32x16x128xf32, #tpu.memory_space<vmem>>, vector<32x1x128xf32>
    %swap3A_183 = vector.shape_cast %swap3A_182 : vector<32x1x128xf32> to vector<32x128xf32>
    %swap3A_184 = vector.shape_cast %slice3A_178 : vector<32x128xf32> to vector<32x1x128xf32>
    tpu.vector_store %arg7[%swap3A_179, %swap3A_180, %swap3A_181], %swap3A_184 {strides = array<i32>} : memref<32x16x128xf32, #tpu.memory_space<vmem>>, vector<32x1x128xf32>,
    %slice3A_185 = vector.extract_strided_slice %select_n3A_28 {offsets = [0, 1408], sizes = [32, 128], strides = [1, 1]} : vector<32x2048xi32> to vector<32x128xi32>
    %swap3A_186 = arith.constant 0 : index
    %swap3A_187 = arith.constant 11 : index
    %swap3A_188 = arith.constant 0 : index
    %swap3A_189 = vector.load %arg6[%swap3A_186, %swap3A_187, %swap3A_188] : memref<32x16x128xi32, #tpu.memory_space<vmem>>, vector<32x1x128xi32>
    %swap3A_190 = vector.shape_cast %swap3A_189 : vector<32x1x128xi32> to vector<32x128xi32>
    %swap3A_191 = vector.shape_cast %slice3A_185 : vector<32x128xi32> to vector<32x1x128xi32>
    tpu.vector_store %arg6[%swap3A_186, %swap3A_187, %swap3A_188], %swap3A_191 {strides = array<i32>} : memref<32x16x128xi32, #tpu.memory_space<vmem>>, vector<32x1x128xi32>,
    %slice3A_192 = vector.extract_strided_slice %select_n3A_31 {offsets = [0, 1408], sizes = [32, 128], strides = [1, 1]} : vector<32x2048xf32> to vector<32x128xf32>
    %swap3A_193 = arith.constant 0 : index
    %swap3A_194 = arith.constant 11 : index
    %swap3A_195 = arith.constant 0 : index
    %swap3A_196 = vector.load %arg7[%swap3A_193, %swap3A_194, %swap3A_195] : memref<32x16x128xf32, #tpu.memory_space<vmem>>, vector<32x1x128xf32>
    %swap3A_197 = vector.shape_cast %swap3A_196 : vector<32x1x128xf32> to vector<32x128xf32>
    %swap3A_198 = vector.shape_cast %slice3A_192 : vector<32x128xf32> to vector<32x1x128xf32>
    tpu.vector_store %arg7[%swap3A_193, %swap3A_194, %swap3A_195], %swap3A_198 {strides = array<i32>} : memref<32x16x128xf32, #tpu.memory_space<vmem>>, vector<32x1x128xf32>,
    %slice3A_199 = vector.extract_strided_slice %select_n3A_28 {offsets = [0, 1536], sizes = [32, 128], strides = [1, 1]} : vector<32x2048xi32> to vector<32x128xi32>
    %swap3A_200 = arith.constant 0 : index
    %swap3A_201 = arith.constant 12 : index
    %swap3A_202 = arith.constant 0 : index
    %swap3A_203 = vector.load %arg6[%swap3A_200, %swap3A_201, %swap3A_202] : memref<32x16x128xi32, #tpu.memory_space<vmem>>, vector<32x1x128xi32>
    %swap3A_204 = vector.shape_cast %swap3A_203 : vector<32x1x128xi32> to vector<32x128xi32>
    %swap3A_205 = vector.shape_cast %slice3A_199 : vector<32x128xi32> to vector<32x1x128xi32>
    tpu.vector_store %arg6[%swap3A_200, %swap3A_201, %swap3A_202], %swap3A_205 {strides = array<i32>} : memref<32x16x128xi32, #tpu.memory_space<vmem>>, vector<32x1x128xi32>,
    %slice3A_206 = vector.extract_strided_slice %select_n3A_31 {offsets = [0, 1536], sizes = [32, 128], strides = [1, 1]} : vector<32x2048xf32> to vector<32x128xf32>
    %swap3A_207 = arith.constant 0 : index
    %swap3A_208 = arith.constant 12 : index
    %swap3A_209 = arith.constant 0 : index
    %swap3A_210 = vector.load %arg7[%swap3A_207, %swap3A_208, %swap3A_209] : memref<32x16x128xf32, #tpu.memory_space<vmem>>, vector<32x1x128xf32>
    %swap3A_211 = vector.shape_cast %swap3A_210 : vector<32x1x128xf32> to vector<32x128xf32>
    %swap3A_212 = vector.shape_cast %slice3A_206 : vector<32x128xf32> to vector<32x1x128xf32>
    tpu.vector_store %arg7[%swap3A_207, %swap3A_208, %swap3A_209], %swap3A_212 {strides = array<i32>} : memref<32x16x128xf32, #tpu.memory_space<vmem>>, vector<32x1x128xf32>,
    %slice3A_213 = vector.extract_strided_slice %select_n3A_28 {offsets = [0, 1664], sizes = [32, 128], strides = [1, 1]} : vector<32x2048xi32> to vector<32x128xi32>
    %swap3A_214 = arith.constant 0 : index
    %swap3A_215 = arith.constant 13 : index
    %swap3A_216 = arith.constant 0 : index
    %swap3A_217 = vector.load %arg6[%swap3A_214, %swap3A_215, %swap3A_216] : memref<32x16x128xi32, #tpu.memory_space<vmem>>, vector<32x1x128xi32>
    %swap3A_218 = vector.shape_cast %swap3A_217 : vector<32x1x128xi32> to vector<32x128xi32>
    %swap3A_219 = vector.shape_cast %slice3A_213 : vector<32x128xi32> to vector<32x1x128xi32>
    tpu.vector_store %arg6[%swap3A_214, %swap3A_215, %swap3A_216], %swap3A_219 {strides = array<i32>} : memref<32x16x128xi32, #tpu.memory_space<vmem>>, vector<32x1x128xi32>,
    %slice3A_220 = vector.extract_strided_slice %select_n3A_31 {offsets = [0, 1664], sizes = [32, 128], strides = [1, 1]} : vector<32x2048xf32> to vector<32x128xf32>
    %swap3A_221 = arith.constant 0 : index
    %swap3A_222 = arith.constant 13 : index
    %swap3A_223 = arith.constant 0 : index
    %swap3A_224 = vector.load %arg7[%swap3A_221, %swap3A_222, %swap3A_223] : memref<32x16x128xf32, #tpu.memory_space<vmem>>, vector<32x1x128xf32>
    %swap3A_225 = vector.shape_cast %swap3A_224 : vector<32x1x128xf32> to vector<32x128xf32>
    %swap3A_226 = vector.shape_cast %slice3A_220 : vector<32x128xf32> to vector<32x1x128xf32>
    tpu.vector_store %arg7[%swap3A_221, %swap3A_222, %swap3A_223], %swap3A_226 {strides = array<i32>} : memref<32x16x128xf32, #tpu.memory_space<vmem>>, vector<32x1x128xf32>,
    %slice3A_227 = vector.extract_strided_slice %select_n3A_28 {offsets = [0, 1792], sizes = [32, 128], strides = [1, 1]} : vector<32x2048xi32> to vector<32x128xi32>
    %swap3A_228 = arith.constant 0 : index
    %swap3A_229 = arith.constant 14 : index
    %swap3A_230 = arith.constant 0 : index
    %swap3A_231 = vector.load %arg6[%swap3A_228, %swap3A_229, %swap3A_230] : memref<32x16x128xi32, #tpu.memory_space<vmem>>, vector<32x1x128xi32>
    %swap3A_232 = vector.shape_cast %swap3A_231 : vector<32x1x128xi32> to vector<32x128xi32>
    %swap3A_233 = vector.shape_cast %slice3A_227 : vector<32x128xi32> to vector<32x1x128xi32>
    tpu.vector_store %arg6[%swap3A_228, %swap3A_229, %swap3A_230], %swap3A_233 {strides = array<i32>} : memref<32x16x128xi32, #tpu.memory_space<vmem>>, vector<32x1x128xi32>,
    %slice3A_234 = vector.extract_strided_slice %select_n3A_31 {offsets = [0, 1792], sizes = [32, 128], strides = [1, 1]} : vector<32x2048xf32> to vector<32x128xf32>
    %swap3A_235 = arith.constant 0 : index
    %swap3A_236 = arith.constant 14 : index
    %swap3A_237 = arith.constant 0 : index
    %swap3A_238 = vector.load %arg7[%swap3A_235, %swap3A_236, %swap3A_237] : memref<32x16x128xf32, #tpu.memory_space<vmem>>, vector<32x1x128xf32>
    %swap3A_239 = vector.shape_cast %swap3A_238 : vector<32x1x128xf32> to vector<32x128xf32>
    %swap3A_240 = vector.shape_cast %slice3A_234 : vector<32x128xf32> to vector<32x1x128xf32>
    tpu.vector_store %arg7[%swap3A_235, %swap3A_236, %swap3A_237], %swap3A_240 {strides = array<i32>} : memref<32x16x128xf32, #tpu.memory_space<vmem>>, vector<32x1x128xf32>,
    %slice3A_241 = vector.extract_strided_slice %select_n3A_28 {offsets = [0, 1920], sizes = [32, 128], strides = [1, 1]} : vector<32x2048xi32> to vector<32x128xi32>
    %swap3A_242 = arith.constant 0 : index
    %swap3A_243 = arith.constant 15 : index
    %swap3A_244 = arith.constant 0 : index
    %swap3A_245 = vector.load %arg6[%swap3A_242, %swap3A_243, %swap3A_244] : memref<32x16x128xi32, #tpu.memory_space<vmem>>, vector<32x1x128xi32>
    %swap3A_246 = vector.shape_cast %swap3A_245 : vector<32x1x128xi32> to vector<32x128xi32>
    %swap3A_247 = vector.shape_cast %slice3A_241 : vector<32x128xi32> to vector<32x1x128xi32>
    tpu.vector_store %arg6[%swap3A_242, %swap3A_243, %swap3A_244], %swap3A_247 {strides = array<i32>} : memref<32x16x128xi32, #tpu.memory_space<vmem>>, vector<32x1x128xi32>,
    %slice3A_248 = vector.extract_strided_slice %select_n3A_31 {offsets = [0, 1920], sizes = [32, 128], strides = [1, 1]} : vector<32x2048xf32> to vector<32x128xf32>
    %swap3A_249 = arith.constant 0 : index
    %swap3A_250 = arith.constant 15 : index
    %swap3A_251 = arith.constant 0 : index
    %swap3A_252 = vector.load %arg7[%swap3A_249, %swap3A_250, %swap3A_251] : memref<32x16x128xf32, #tpu.memory_space<vmem>>, vector<32x1x128xf32>
    %swap3A_253 = vector.shape_cast %swap3A_252 : vector<32x1x128xf32> to vector<32x128xf32>
    %swap3A_254 = vector.shape_cast %slice3A_248 : vector<32x128xf32> to vector<32x1x128xf32>
    tpu.vector_store %arg7[%swap3A_249, %swap3A_250, %swap3A_251], %swap3A_254 {strides = array<i32>} : memref<32x16x128xf32, #tpu.memory_space<vmem>>, vector<32x1x128xf32>,
    %get3A_255 = arith.constant 0 : index
    %get3A_256 = arith.constant 0 : index
    %get3A_257 = vector.load %arg10[%get3A_255, %get3A_256] : memref<32x2048xi32, #tpu.memory_space<vmem>>, vector<32x2048xi32>
    %convert_element_type3A_258 = arith.extui %gt3A_22 : vector<32x2048xi1> to vector<32x2048xi32>
    %add3A = arith.addi %get3A_257, %convert_element_type3A_258 : vector<32x2048xi32>
    %swap3A_259 = arith.constant 0 : index
    %swap3A_260 = arith.constant 0 : index
    %swap3A_261 = vector.load %arg10[%swap3A_259, %swap3A_260] : memref<32x2048xi32, #tpu.memory_space<vmem>>, vector<32x2048xi32>
    tpu.vector_store %arg10[%swap3A_259, %swap3A_260], %add3A {strides = array<i32>} : memref<32x2048xi32, #tpu.memory_space<vmem>>, vector<32x2048xi32>,
    %get3A_262 = arith.constant 0 : index
    %get3A_263 = arith.constant 0 : index
    %get3A_264 = vector.load %arg12[%get3A_262, %get3A_263] : memref<32x2048xf32, #tpu.memory_space<vmem>>, vector<32x2048xf32>
    %jit3A_265 = arith.constant 0.000000e+00 : f32
    %broadcast_in_dim3A_266 = vector.broadcast %jit3A_265 : f32 to vector<32x2048xf32>
    %select_n3A_267 = arith.select %gt3A_22, %sub3A_20, %broadcast_in_dim3A_266 : vector<32x2048xi1>, vector<32x2048xf32>
    %add3A_268 = arith.addf %get3A_264, %select_n3A_267 : vector<32x2048xf32>
    %swap3A_269 = arith.constant 0 : index
    %swap3A_270 = arith.constant 0 : index
    %swap3A_271 = vector.load %arg12[%swap3A_269, %swap3A_270] : memref<32x2048xf32, #tpu.memory_space<vmem>>, vector<32x2048xf32>
    tpu.vector_store %arg12[%swap3A_269, %swap3A_270], %add3A_268 {strides = array<i32>} : memref<32x2048xf32, #tpu.memory_space<vmem>>, vector<32x2048xf32>,
    %get3A_272 = arith.constant 0 : index
    %get3A_273 = arith.constant 0 : index
    %get3A_274 = arith.constant 0 : index
    %get3A_275 = vector.load %arg2[%get3A_272, %get3A_273, %get3A_274] : memref<32x4x2048xf32, #tpu.memory_space<vmem>>, vector<32x4x2048xf32>
    %get3A_276 = arith.constant 0 : index
    %get3A_277 = arith.constant 0 : index
    %get3A_278 = arith.constant 0 : index
    %get3A_279 = vector.load %arg3[%get3A_276, %get3A_277, %get3A_278] : memref<32x4x2048xf32, #tpu.memory_space<vmem>>, vector<32x4x2048xf32>
    %sub3A_280 = arith.subf %get3A_275, %get3A_279 : vector<32x4x2048xf32>
    %abs3A = math.absf %sub3A_280 : vector<32x4x2048xf32>
    %lt3A = arith.constant 1.000000e+00 : f32
    %lt3A_281 = vector.broadcast %lt3A : f32 to vector<32x4x2048xf32>
    %lt3A_282 = arith.cmpf olt, %abs3A, %lt3A_281 : vector<32x4x2048xf32>
    %mul3A_283 = arith.constant 5.000000e-01 : f32
    %mul3A_284 = vector.broadcast %mul3A_283 : f32 to vector<32x4x2048xf32>
    %mul3A_285 = arith.mulf %mul3A_284, %abs3A : vector<32x4x2048xf32>
    %mul3A_286 = arith.mulf %mul3A_285, %abs3A : vector<32x4x2048xf32>
    %sub3A_287 = arith.constant 5.000000e-01 : f32
    %sub3A_288 = vector.broadcast %sub3A_287 : f32 to vector<32x4x2048xf32>
    %sub3A_289 = arith.subf %abs3A, %sub3A_288 : vector<32x4x2048xf32>
    %select_n3A_290 = arith.select %lt3A_282, %mul3A_286, %sub3A_289 : vector<32x4x2048xi1>, vector<32x4x2048xf32>
    %get3A_291 = arith.constant 0 : index
    %get3A_292 = arith.constant 0 : index
    %get3A_293 = vector.load %arg11[%get3A_291, %get3A_292] : memref<32x2048xf32, #tpu.memory_space<vmem>>, vector<32x2048xf32>
    %reduce_sum3A_294 = arith.constant dense<0.000000e+00> : vector<32x2048xf32>
    %reduce_sum3A_295 = vector.multi_reduction <add>, %select_n3A_290, %reduce_sum3A_294 [1] : vector<32x4x2048xf32> to vector<32x2048xf32>
    %convert_element_type3A_296 = arith.extui %gt3A_22 : vector<32x2048xi1> to vector<32x2048xi32>
    %convert_element_type3A_297 = arith.sitofp %convert_element_type3A_296 : vector<32x2048xi32> to vector<32x2048xf32>
    %mul3A_298 = arith.mulf %reduce_sum3A_295, %convert_element_type3A_297 : vector<32x2048xf32>
    %add3A_299 = arith.addf %get3A_293, %mul3A_298 : vector<32x2048xf32>
    %swap3A_300 = arith.constant 0 : index
    %swap3A_301 = arith.constant 0 : index
    %swap3A_302 = vector.load %arg11[%swap3A_300, %swap3A_301] : memref<32x2048xf32, #tpu.memory_space<vmem>>, vector<32x2048xf32>
    tpu.vector_store %arg11[%swap3A_300, %swap3A_301], %add3A_299 {strides = array<i32>} : memref<32x2048xf32, #tpu.memory_space<vmem>>, vector<32x2048xf32>,
    %eq3A_303 = arith.constant 15 : i32
    %eq3A_304 = arith.cmpi eq, %arg0, %eq3A_303 : i32
    %convert_element_type3A_305 = arith.extui %eq3A_304 : i1 to i32
    %cond3A_306 = arith.constant 0 : i32
    %cond3A_307 = arith.cmpi ne, %convert_element_type3A_305, %cond3A_306 : i32
    scf.if %cond3A_307 {
      %get3A_308 = arith.constant 0 : index
      %get3A_309 = arith.constant 0 : index
      %get3A_310 = vector.load %arg10[%get3A_308, %get3A_309] : memref<32x2048xi32, #tpu.memory_space<vmem>>, vector<32x2048xi32>
      %reduce_sum3A_311 = arith.constant dense<0> : vector<32xi32>
      %reduce_sum3A_312 = vector.multi_reduction <add>, %get3A_310, %reduce_sum3A_311 [1] : vector<32x2048xi32> to vector<32xi32>
      %broadcast_in_dim3A_313 = vector.shape_cast %reduce_sum3A_312 : vector<32xi32> to vector<32x1xi32>
      %mul3A_314 = arith.constant 3 : i32
      %mul3A_315 = vector.broadcast %mul3A_314 : i32 to vector<32x1xi32>
      %mul3A_316 = arith.muli %broadcast_in_dim3A_313, %mul3A_315 : vector<32x1xi32>
      %iota3A_317 = tpu.iota {dimensions = array<i32: 1>} : vector<32x128xi32>
      %eq3A_318 = arith.constant 0 : i32
      %eq3A_319 = vector.broadcast %eq3A_318 : i32 to vector<32x128xi32>
      %eq3A_320 = arith.cmpi eq, %iota3A_317, %eq3A_319 : vector<32x128xi32>
      %jit3A_321 = arith.constant 0 : i32
      %broadcast_in_dim3A_322 = vector.shape_cast %mul3A_316 : vector<32x1xi32> to vector<32x1xi32>
      %broadcast_in_dim3A_323 = vector.broadcast %broadcast_in_dim3A_322 : vector<32x1xi32> to vector<32x128xi32>
      %broadcast_in_dim3A_324 = vector.broadcast %jit3A_321 : i32 to vector<32x128xi32>
      %select_n3A_325 = arith.select %eq3A_320, %broadcast_in_dim3A_323, %broadcast_in_dim3A_324 : vector<32x128xi1>, vector<32x128xi32>
      %swap3A_326 = arith.constant 0 : index
      %swap3A_327 = arith.constant 0 : index
      %swap3A_328 = vector.load %arg8[%swap3A_326, %swap3A_327] : memref<32x128xi32, #tpu.memory_space<vmem>>, vector<32x128xi32>
      tpu.vector_store %arg8[%swap3A_326, %swap3A_327], %select_n3A_325 {strides = array<i32>} : memref<32x128xi32, #tpu.memory_space<vmem>>, vector<32x128xi32>,
      %get3A_329 = arith.constant 0 : index
      %get3A_330 = arith.constant 0 : index
      %get3A_331 = vector.load %arg11[%get3A_329, %get3A_330] : memref<32x2048xf32, #tpu.memory_space<vmem>>, vector<32x2048xf32>
      %reduce_sum3A_332 = vector.shape_cast %get3A_331 : vector<32x2048xf32> to vector<1x32x2048xf32>
      %reduce_sum3A_333 = arith.constant dense<0.000000e+00> : vector<1xf32>
      %reduce_sum3A_334 = vector.multi_reduction <add>, %reduce_sum3A_332, %reduce_sum3A_333 [1, 2] : vector<1x32x2048xf32> to vector<1xf32>
      %reduce_sum3A_335 = vector.shape_cast %reduce_sum3A_334 : vector<1xf32> to vector<1x1x1xf32>
      %reduce_sum3A_336 = vector.extract %reduce_sum3A_335[0, 0, 0] : f32 from vector<1x1x1xf32>
      %swap3A_337 = arith.constant 0 : index
      %swap3A_338 = arith.constant 0 : index
      %swap3A_339 = memref.load %arg9[%swap3A_337, %swap3A_338] : memref<1x4xf32, #tpu.memory_space<smem>>
      memref.store %reduce_sum3A_336, %arg9[%swap3A_337, %swap3A_338] : memref<1x4xf32, #tpu.memory_space<smem>>
      %get3A_340 = arith.constant 0 : index
      %get3A_341 = arith.constant 0 : index
      %get3A_342 = vector.load %arg12[%get3A_340, %get3A_341] : memref<32x2048xf32, #tpu.memory_space<vmem>>, vector<32x2048xf32>
      %reduce_sum3A_343 = vector.shape_cast %get3A_342 : vector<32x2048xf32> to vector<1x32x2048xf32>
      %reduce_sum3A_344 = arith.constant dense<0.000000e+00> : vector<1xf32>
      %reduce_sum3A_345 = vector.multi_reduction <add>, %reduce_sum3A_343, %reduce_sum3A_344 [1, 2] : vector<1x32x2048xf32> to vector<1xf32>
      %reduce_sum3A_346 = vector.shape_cast %reduce_sum3A_345 : vector<1xf32> to vector<1x1x1xf32>
      %reduce_sum3A_347 = vector.extract %reduce_sum3A_346[0, 0, 0] : f32 from vector<1x1x1xf32>
      %swap3A_348 = arith.constant 0 : index
      %swap3A_349 = arith.constant 1 : index
      %swap3A_350 = memref.load %arg9[%swap3A_348, %swap3A_349] : memref<1x4xf32, #tpu.memory_space<smem>>
      memref.store %reduce_sum3A_347, %arg9[%swap3A_348, %swap3A_349] : memref<1x4xf32, #tpu.memory_space<smem>>
      %reduce_sum3A_351 = vector.shape_cast %broadcast_in_dim3A_313 : vector<32x1xi32> to vector<1x32x1xi32>
      %reduce_sum3A_352 = arith.constant dense<0> : vector<1xi32>
      %reduce_sum3A_353 = vector.multi_reduction <add>, %reduce_sum3A_351, %reduce_sum3A_352 [1, 2] : vector<1x32x1xi32> to vector<1xi32>
      %reduce_sum3A_354 = vector.shape_cast %reduce_sum3A_353 : vector<1xi32> to vector<1x1x1xi32>
      %reduce_sum3A_355 = vector.extract %reduce_sum3A_354[0, 0, 0] : i32 from vector<1x1x1xi32>
      %convert_element_type3A_356 = arith.sitofp %reduce_sum3A_355 : i32 to f32
      %swap3A_357 = arith.constant 0 : index
      %swap3A_358 = arith.constant 2 : index
      %swap3A_359 = memref.load %arg9[%swap3A_357, %swap3A_358] : memref<1x4xf32, #tpu.memory_space<smem>>
      memref.store %convert_element_type3A_356, %arg9[%swap3A_357, %swap3A_358] : memref<1x4xf32, #tpu.memory_space<smem>>
    } else {
    }
    return
  }
  func.func @transform_0(%arg0: i32) -> (i32, i32, i32) {
    %c0_i32 = arith.constant 0 : i32
    %c0_i32_0 = arith.constant 0 : i32
    %c0_i32_1 = arith.constant 0 : i32
    return %c0_i32, %c0_i32_0, %arg0 : i32, i32, i32
  }
  func.func @transform_1(%arg0: i32) -> (i32, i32, i32) {
    %c0_i32 = arith.constant 0 : i32
    %c0_i32_0 = arith.constant 0 : i32
    %c0_i32_1 = arith.constant 0 : i32
    return %c0_i32, %c0_i32_0, %arg0 : i32, i32, i32
  }
  func.func @transform_2(%arg0: i32) -> (i32, i32, i32) {
    %c0_i32 = arith.constant 0 : i32
    %c0_i32_0 = arith.constant 0 : i32
    %c0_i32_1 = arith.constant 0 : i32
    return %c0_i32, %c0_i32_0, %arg0 : i32, i32, i32
  }
  func.func @transform_3(%arg0: i32) -> (i32, i32) {
    %c0_i32 = arith.constant 0 : i32
    %c0_i32_0 = arith.constant 0 : i32
    %c0_i32_1 = arith.constant 0 : i32
    return %c0_i32, %c0_i32_0 : i32, i32
  }
  func.func @transform_4(%arg0: i32) -> (i32, i32) {
    %c0_i32 = arith.constant 0 : i32
    %c0_i32_0 = arith.constant 0 : i32
    %c0_i32_1 = arith.constant 0 : i32
    return %c0_i32, %c0_i32_0 : i32, i32
  }
  func.func @transform_5(%arg0: i32) -> (i32, i32, i32) {
    %c0_i32 = arith.constant 0 : i32
    %c0_i32_0 = arith.constant 0 : i32
    %c0_i32_1 = arith.constant 0 : i32
    return %c0_i32, %arg0, %c0_i32_0 : i32, i32, i32
  }
  func.func @transform_6(%arg0: i32) -> (i32, i32, i32) {
    %c0_i32 = arith.constant 0 : i32
    %c0_i32_0 = arith.constant 0 : i32
    %c0_i32_1 = arith.constant 0 : i32
    return %c0_i32, %arg0, %c0_i32_0 : i32, i32, i32
  }
  func.func @transform_7(%arg0: i32) -> (i32, i32) {
    %c0_i32 = arith.constant 0 : i32
    %c0_i32_0 = arith.constant 0 : i32
    %c0_i32_1 = arith.constant 0 : i32
    return %c0_i32, %c0_i32_0 : i32, i32
  }
  func.func @transform_8(%arg0: i32) -> (i32, i32) {
    %c0_i32 = arith.constant 0 : i32
    %c0_i32_0 = arith.constant 0 : i32
    %c0_i32_1 = arith.constant 0 : i32
    return %c0_i32, %c0_i32_0 : i32, i32
  }
}

</mosaic_0001>

<sc_bundles>
// kernel: kernel.4.cloned.1.call-start
scs
__scs_entry_jumppad:
0x0: {  	(pc) =	sbr.rel $0x88, $3  }
0x1: {  	(tag) =	ssettag $0x0;
	lr =	simm.s32 $0x1  }
0x2: {  	[smem:$0x3F9C] =	sst lr;
	_ =	strace $0xD0000000  }
0x3: {  	_ = 	snop  }
0x4: {  	_ = 	snop  }
0x5: {  	_ = 	snop  }
0x6: {  	_ = 	snop  }
0x7: {  	_ = 	snop  }
__scs_overlays_trampoline_lowered:
0x8: {  	[smem:$0x3FAB] =	sst s0  }
0x9: {  	[smem:$0x3FAC] =	sst s1  }
0xa: {  	[smem:$0x3FAD] =	sst s2  }
0xb: {  	[smem:$0x3FAE] =	sst s3  }
0xc: {  	[smem:$0x3FAF] =	sst s4  }
0xd: {  	[smem:$0x3FB0] =	sst s5  }
0xe: {  	[smem:$0x3FB1] =	sst s6  }
0xf: {  	[smem:$0x3FB2] =	sst s7  }
0x10: {  	[smem:$0x3FB3] =	sst s8  }
0x11: {  	[smem:$0x3FB4] =	sst s9;
	s0 =	simm.s32 @!p0 $0x0  }
0x12: {  	s1 =	sld [smem:$0x3F9A];
	s0 =	simm.s32 @p0 $0x1  }
0x13: {  	[smem:$0x3FB5] =	sst s0;
	s0 =	simm.s32 @!p1 $0x0  }
0x14: {  	s2 =	sld [smem:$0x3F99];
	s0 =	simm.s32 @p1 $0x1  }
0x15: {  	[smem:$0x3FB6] =	sst s0;
	s0 =	simm.s32 @!p2 $0x0  }
0x16: {  	s3 =	sld [smem:$0x3FDB];
	s0 =	simm.s32 @p2 $0x1  }
0x17: {  	s4 =	simm.s32 $0x1BF5;
	[smem:$0x3FB8] =	sst s0  }
0x18: {  	s0 =	sld [smem:$0x3F9B];
	_ =	swait.ge [sflag:s4], $0x0  }
0x19: {  	s7 =	sld [smem:$0x3F9C]  }
0x1a: {  	s8 =	sadd.s32 $0xFFFFE003, lr  }
0x1b: {  	s9 =	sadd.s32 $0xFFFFFEF7, lr;
	s5 =	simm.s32 $0xFFFFFFFF;
	p2 =	slt.u32 s8, $0xFFFFF086  }
0x1c: {  	p1 =	slt.u32 s9, $0xF7A;
	s5 =	simm.s32 @!p2 $0x0  }
0x1d: {  	s5 =	simm.s32 @p1 $0x1;
	p0 =	seq.s32 s7, s2  }
0x1e: {  	s7 =	smul.u32 @!p0 $0xF7A, s2;
	p2 =	seq.s32 @!p0 s5, $0x0  }
0x1f: {  	s9 =	smul.u32 $0xF7A, s1;
	s8 =	simm.s32 @!p0 $0x1BF5;
	p2 =	por !p2, p0  }
0x20: {  	[sflag:s8] =	ssyncset.s32 @!p0 $0xFFFFF086;
	s6 =	sadd.s32 @!p0 s3, s7;
	s7 =	simm.s32 @!p0 $0x108  }
0x21: {  	s3 =	sadd.s32 s3, s9;
	s6 =	sadd.s32 @!p0 $0x88, s6;
	s7 =	simm.s32 @p2 $0x1082  }
0x22: {  	[simem:s7], [sflag:s8] =	dma.local @!p0 [hbm:s6], $0xF7A  }
0x23: {  	s9 =	sor.u32 $0xD0000000, s2;
	s6 =	simm.s32 $0x108;
	_ =	swait.ge @!p0 [sflag:s8], $0x0  }
0x24: {  	s3 =	sadd.s32 $0x88, s3;
	s6 =	simm.s32 @!p1 $0x1082;
	[sflag:s4] =	ssyncset.s32 $0xFFFFF086  }
0x25: {  	[simem:s6], [sflag:s4] =	dma.local [hbm:s3], $0xF7A  }
0x26: {  	[smem:$0x3F9C] =	sst s1;
	(tag) =	ssettag s2;
	_ =	strace s9  }
0x27: {  	s1 =	sld [smem:$0x3FAC]  }
0x28: {  	s2 =	sld [smem:$0x3FAD]  }
0x29: {  	s4 =	sld [smem:$0x3FAF]  }
0x2a: {  	p0 =	seq.s32 s5, $0x0;
	s5 =	sld [smem:$0x3FB0]  }
0x2b: {  	s6 =	sld [smem:$0x3FB1]  }
0x2c: {  	s7 =	sld [smem:$0x3FB2]  }
0x2d: {  	s3 =	simm.s32 $0x108;
	s8 =	sld [smem:$0x3FB3]  }
0x2e: {  	s3 =	simm.s32 @!p0 $0x1082;
	s9 =	sld [smem:$0x3FB4]  }
0x2f: {  	lr =	sadd.s32 s0, s3;
	s0 =	sld [smem:$0x3FAB]  }
0x30: {  	s3 =	sld [smem:$0x3FAE]  }
0x31: {  	[smem:$0x3FB7] =	sst s10  }
0x32: {  	s10 =	sld [smem:$0x3FB5];
	_ =	sdelay $0x3  }
0x33: {  	p0 =	seq.s32 s10, $0x1;
	s10 =	sld [smem:$0x3FB7];
	_ =	sdelay $0x3  }
0x34: {  	[smem:$0x3FB7] =	sst s10  }
0x35: {  	s10 =	sld [smem:$0x3FB6];
	_ =	sdelay $0x3  }
0x36: {  	p1 =	seq.s32 s10, $0x1;
	s10 =	sld [smem:$0x3FB7];
	_ =	sdelay $0x3  }
0x37: {  	[smem:$0x3FB7] =	sst s10  }
0x38: {  	s10 =	sld [smem:$0x3FB8]  }
0x39: {  	_ = 	snop;
	(pc) =	sbr.ind lr, $3  }
0x3a: {  	_ = 	snop  }
0x3b: {  	_ = 	snop  }
0x3c: {  	p2 =	seq.s32 s10, $0x1;
	s10 =	sld [smem:$0x3FB7]  }
0x3d: {  	_ =	shalt  }
0x3e: {  	_ =	shalt  }
0x3f: {  	_ =	shalt  }
0x40: {  	_ =	shalt  }
0x41: {  	_ =	shalt  }
0x42: {  	_ =	shalt  }
0x43: {  	_ =	shalt  }
0x44: {  	_ =	shalt  }
0x45: {  	_ =	shalt  }
0x46: {  	_ =	shalt  }
0x47: {  	_ =	shalt  }
0x48: {  	_ =	shalt  }
0x49: {  	_ =	shalt  }
0x4a: {  	_ =	shalt  }
0x4b: {  	_ =	shalt  }
0x4c: {  	_ =	shalt  }
0x4d: {  	_ =	shalt  }
0x4e: {  	_ =	shalt  }
0x4f: {  	_ =	shalt  }
0x50: {  	_ =	shalt  }
0x51: {  	_ =	shalt  }
0x52: {  	_ =	shalt  }
0x53: {  	_ =	shalt  }
0x54: {  	_ =	shalt  }
0x55: {  	_ =	shalt  }
0x56: {  	_ =	shalt  }
0x57: {  	_ =	shalt  }
0x58: {  	_ =	shalt  }
0x59: {  	_ =	shalt  }
0x5a: {  	_ =	shalt  }
0x5b: {  	_ =	shalt  }
0x5c: {  	_ =	shalt  }
0x5d: {  	_ =	shalt  }
0x5e: {  	_ =	shalt  }
0x5f: {  	_ =	shalt  }
0x60: {  	_ =	shalt  }
0x61: {  	_ =	shalt  }
0x62: {  	_ =	shalt  }
0x63: {  	_ =	shalt  }
0x64: {  	_ =	shalt  }
0x65: {  	_ =	shalt  }
0x66: {  	_ =	shalt  }
0x67: {  	_ =	shalt  }
0x68: {  	_ =	shalt  }
0x69: {  	_ =	shalt  }
0x6a: {  	_ =	shalt  }
0x6b: {  	_ =	shalt  }
0x6c: {  	_ =	shalt  }
0x6d: {  	_ =	shalt  }
0x6e: {  	_ =	shalt  }
0x6f: {  	_ =	shalt  }
0x70: {  	_ =	shalt  }
0x71: {  	_ =	shalt  }
0x72: {  	_ =	shalt  }
0x73: {  	_ =	shalt  }
0x74: {  	_ =	shalt  }
0x75: {  	_ =	shalt  }
0x76: {  	_ =	shalt  }
0x77: {  	_ =	shalt  }
0x78: {  	_ =	shalt  }
0x79: {  	_ =	shalt  }
0x7a: {  	_ =	shalt  }
0x7b: {  	_ =	shalt  }
0x7c: {  	_ =	shalt  }
0x7d: {  	_ =	shalt  }
0x7e: {  	_ =	shalt  }
0x7f: {  	_ =	shalt  }
0x80: {  	_ =	shalt  }
0x81: {  	_ =	shalt  }
0x82: {  	_ =	shalt  }
0x83: {  	_ =	shalt  }
0x84: {  	_ =	shalt  }
0x85: {  	_ =	shalt  }
0x86: {  	_ =	shalt  }
0x87: {  	_ =	shalt  }
.Lfunc_end0:
.L_simem_size_0:
called_computation_lowered:
.L_overlay_start_0:
0x88: {  	s2 =	sld [smem:$0x3FD9]  }
0x89: {  	s3 =	sld [smem:$0x3FFE];
	_ =	sdelay $0x1  }
0x8a: {  	s1 =	srdreg.scid  }
0x8b: {  	s0 =	sand.u32 $0x1, s1  }
0x8c: {  	s16 =	sshll.u32 s0, $0xA;
	s2 =	sadd.s32 s3, s2  }
0x8d: {  	s2 =	sadd.s32 s2, s16  }
0x8e: {  	[smem:$0x3FC3] =	sst s2  }
0x8f: {  	_ = 	snop  }
0x90: {  	(tm) =	ssettm $0x1  }
0x91: {  	s17 =	sld [smem:$0x3FFB];
	_ =	sdelay $0x3  }
0x92: {  	_ =	strace s17  }
0x93: {  	s2 =	sld [smem:$0x3FFC];
	_ =	sdelay $0x3  }
0x94: {  	_ =	strace s2  }
0x95: {  	s2 =	sld [smem:$0x3FFD];
	_ =	sdelay $0x3  }
0x96: {  	_ =	strace s2  }
0x97: {  	_ =	strace $0x8FFFFFFF  }
0x98: {  	s18 =	sld [smem:$0x3FDB];
	_ =	sdelay $0x1  }
0x99: {  	s19 =	simm.s32 $_scs_section_size  }
0x9a: {  	s4 =	simm.s32 $_size__tile_overlayer_lowered;
	s5 =	simm.s32 $_tile_overlayer_lowered  }
0x9b: {  	s22 =	simm.s32 $0x1BFF;
	s21 =	sshll.u32 s5, $0x1;
	s2 =	sadd.s32 s19, s18  }
0x9c: {  	s6 =	simm.s32 $0x0;
	s20 =	sshll.u32 s4, $0x1;
	s4 =	sadd.s32 s21, s2  }
0x9d: {  	[timem:s6], [sflag:s22] =	dma.local [hbm:s4], s20  }
0x9e: {  	_ =	swait.ge [sflag:s22], s20  }
0x9f: {  	s3 =	ssub.s32 $0x0, s20;
	[sflag:s22] =	ssyncset.done $0x0  }
0xa0: {  	[sflag:s22] =	ssyncadd.s32 s3;
	_ =	sdelay $0x1  }
0xa1: {  	s23 =	simm.s32 $0x1B8B  }
0xa2: {  	_ =	swait.ge [sflag:s23], $0x1  }
0xa3: {  	[sflag:s23] =	ssyncset.done $0x0  }
0xa4: {  	s25 =	simm.s32 $0x1B8E;
	s24 =	sld [smem:$0x3FFE];
	[sflag:s23] =	ssyncadd.s32 $0xFFFFFFFF  }
0xa5: {  	s26 =	simm.s32 $execute0_lowered;
	[smem:$0x3FD2] =	sst s25  }
0xa6: {  	s4 =	sshll.u32 s26, $0x1;
	_ =	strace $0x80000046;
	[dreg:$0x1] =	wrdreg $0xFFFFFFFF  }
0xa7: {  	s28 =	simm.s32 $_size_execute0_lowered;
	s2 =	sadd.s32 s2, s4;
	[dreg:$0x0] =	wrdreg $0x0  }
0xa8: {  	s4 =	sshll.u32 s28, $0x1;
	[dreg:$0x2] =	wrdreg s2  }
0xa9: {  	[dreg:$0x3] =	wrdreg s4  }
0xaa: {  	[dreg:$0x4] =	wrdreg $0xC0  }
0xab: {  	_ =	task [dreg:s6], $0x5FFFF  }
0xac: {  	[dreg:$0x1] =	wrdreg $0xFFFFFFFF  }
0xad: {  	[dreg:$0x0] =	wrdreg $0x60  }
0xae: {  	[dreg:$0x2] =	wrdreg s24  }
0xaf: {  	[dreg:$0x3] =	wrdreg $0x9  }
0xb0: {  	_ =	task.clear_ibuf [dreg:s6], $0x4FFFF;
	_ =	strace $0x90000046  }
0xb1: {  	s29 =	simm.s32 $0x9;
	_ =	strace $0x80000048  }
0xb2: {  	_ =	swait.ge [sflag:s29], $0x1  }
0xb3: {  	[sflag:s29] =	ssyncadd.s32 $0xFFFFFFFF  }
0xb4: {  	_ =	strace $0x90000048  }
0xb5: {  	_ =	sfence  }
0xb6: {  	s30 =	sld [smem:$0x0];
	_ =	sdelay $0x2  }
0xb7: {  	s31 =	sshll.u32 s1, $0xD;
	s1 =	sshrl.u32 s1, $0x2  }
0xb8: {  	s3 =	sand.u32 $0x4000, s31;
	s1 =	sadd.s32 s1, s30  }
0xb9: {  	s0 =	sor.u32 s3, s0;
	s1 =	sshll.u32 s1, $0x11  }
0xba: {  	s0 =	sor.u32 s1, s0  }
0xbb: {  	s0 =	sadd.s32 $0x8F2B, s0  }
0xbc: {  	[sflag:s0] =	ssyncadd.remote.s32 $0x1  }
0xbd: {  	_ =	sfence.sel $0xFFFF  }
0xbe: {  	[dreg:$0x0] =	wrdreg $0xFFFFFFFF;
	(pc) =	sbr.abs _section_cstart, $3  }
0xbf: {  	[dreg:$0x1] =	wrdreg $0xFFFFFFFF  }
0xc0: {  	_ =	task.clear_ibuf [dreg:s6], $0x2FFFF;
	_ =	strace $0x9FFFFFFF  }
0xc1: {  	(tm) =	ssettm $0x7FFFFFFF  }
tec
execute0_lowered:
.L_overlay_start_1:
0x0: {  	(tag) =	ssettag $0x1  }
0x1: {  	v0 =	vimm.s32 $0xFEDCBA98;
	v1 =	vimm.s32 $0x76543210  }
0x2: {  	s3 =	rddreg [dreg:$0x0];
	v2 =	vimm.s32 $0xBA98FEDC;
	v3 =	vimm.s32 $0x32107654;
	v4 =	vimm.s32 $0xDCFE98BA  }
0x3: {  	s0 =	rddreg [dreg:$0x1];
	s2 =	simm.s32 $0x0;
	v5 =	vimm.s32 $0x54761032;
	v6 =	vimm.s32 $0xEFCDAB89;
	v7 =	vimm.s32 $0x67452301  }
0x4: {  	s4 =	srdreg.scid;
	s1 =	stileid.u32;
	s9 =	simm.s32 $0x1;
	v0 =	vunpack.c.l.s4.s8 v0;
	v1 =	vunpack.c.l.s4.s8 v1;
	v2 =	vunpack.c.l.s4.s8 v2  }
0x5: {  	s10 =	simm.s32 $0x10000;
	s11 =	simm.s32 $0x10100;
	s12 =	simm.s32 $0x10180;
	v3 =	vunpack.c.l.s4.s8 v3;
	v4 =	vunpack.c.l.s4.s8 v4;
	v5 =	vunpack.c.l.s4.s8 v5  }
0x6: {  	s13 =	simm.s32 $0x10080;
	s14 =	simm.s32 $0x0;
	[smem:$0x7FF] =	sst s2;
	v6 =	vunpack.c.l.s4.s8 v6;
	v7 =	vunpack.c.l.s4.s8 v7;
	v0 =	vunpack.c.0.s8.s32 v0  }
0x7: {  	s4 =	sand.u32 $0x1, s4;
	s5 =	sshll.u32 s1, $0x1;
	_ =	strace $0x80000047;
	v2 =	vunpack.c.0.s8.s32 v2;
	v3 =	vunpack.c.0.s8.s32 v3;
	v4 =	vunpack.c.0.s8.s32 v4  }
.Ltmp0:
0x8: {  	s5 =	sor.u32 s4, s5;
	s4 =	ssub.s32 $0x2, s4;
	v5 =	vunpack.c.0.s8.s32 v5;
	v6 =	vunpack.c.0.s8.s32 v6;
	v7 =	vunpack.c.0.s8.s32 v7;
	(pc) =	sbr.rel .LBB2_1-.Ltmp0, $4  }
0x9: {  	s6 =	sshll.u32 s5, $0xC;
	s5 =	sshll.u32 s5, $0x4;
	s7 =	sshrl.u32 s4, $0x1;
	v1 =	vunpack.c.0.s8.s32 v1;
	v2 =	vcombine.low v3, v2;
	v0 =	vand.u32 $0xF, v0  }
0xa: {  	s6 =	sadd.s32 s6, s3;
	s8 =	sadd.s32 s5, s3;
	s7 =	ssub.s32 s4, s7;
	v3 =	vcombine.low v5, v4;
	v4 =	vcombine.low v7, v6;
	v5 =	vimm.s32 $0x0  }
0xb: {  	s3 =	sadd.s32 $0x20E00, s6;
	s4 =	sadd.s32 $0x40E00, s8;
	s5 =	sadd.s32 $0xE00, s6;
	v6 =	vlaneseq.u32;
	v0 =	vcombine.low v0, v1;
	v1 =	vand.u32 $0xF, v2  }
0xc: {  	s6 =	sadd.s32 $0x41000, s8;
	s7 =	smax.u32 s7, $0x1;
	s8 =	simm.s32 $0x8000;
	v2 =	vand.u32 $0xF, v3;
	v3 =	vand.u32 $0xF, v4;
	v4 =	vimm.s32 $0x1  }
.LBB2_20:
0xd: {  	_ =	sdelay $0x2  }
0xe: {  	[tilespmem:$0x10180] =	vst v7  }
0xf: {  	v8 =	vld.idx.msk [tilespmem:v0+s12+$0x0], $0xffff;
	_ =	sdelay $0x4  }
0x10: {  	v7 =	vadd.f32 v8, v7;
	_ =	sdelay $0x1  }
0x11: {  	[tilespmem:$0x10180] =	vst v7  }
0x12: {  	v8 =	vld.idx.msk [tilespmem:v1+s12+$0x0], $0xffff;
	_ =	sdelay $0x4  }
0x13: {  	v7 =	vadd.f32 v8, v7;
	_ =	sdelay $0x1  }
0x14: {  	[tilespmem:$0x10180] =	vst v7  }
0x15: {  	v8 =	vld.idx.msk [tilespmem:v2+s12+$0x0], $0xffff;
	_ =	sdelay $0x4  }
0x16: {  	v7 =	vadd.f32 v8, v7;
	_ =	sdelay $0x1  }
0x17: {  	[tilespmem:$0x10180] =	vst v7  }
0x18: {  	v8 =	vld.idx.msk [tilespmem:v3+s12+$0x0], $0xffff;
	_ =	sdelay $0x4  }
0x19: {  	s14 =	sadd.s32 $0x1, s14;
	v7 =	vadd.f32 v8, v7  }
0x1a: {  	p0 =	sne.s32 s14, s7  }
.Ltmp1:
0x1b: {  	[tilespmem:$0x10080] =	vst v7;
	(pc) =	sbr.rel @!p0 .LBB2_21-.Ltmp1, $4  }
0x1c: {  	[hbm4b:s6+s2] =	stream.linear.scatter [tilespmem:s13], [sflag:$0x1], $0x80, $0x38;
	[tilespmem:$0x10200] =	vst v63  }
0x1d: {  	_ =	swait.ge [sflag:s9], $0x80  }
0x1e: {  	[sflag:s9] =	ssyncset.done $0x0  }
0x1f: {  	[sflag:s9] =	ssyncadd.s32 $0xFFFFFF80  }
.LBB2_1:
0x20: {  	[tilespmem:s8], [sflag:$0x1] =	stream.linear.gather [hbm4b:s3+s2], $0x8000, $0x38;
	[tilespmem:$0x10200] =	vst v63  }
0x21: {  	_ =	swait.ge [sflag:s9], $0x8000  }
0x22: {  	[sflag:s9] =	ssyncset.done $0x0  }
0x23: {  	[sflag:s9] =	ssyncadd.s32 $0xFFFF8000  }
0x24: {  	[tilespmem:s10], [sflag:$0x1] =	stream.linear.gather [hbm4b:s4+s2], $0x80, $0x38;
	[tilespmem:$0x10200] =	vst v63  }
0x25: {  	_ =	swait.ge [sflag:s9], $0x80  }
0x26: {  	[sflag:s9] =	ssyncset.done $0x0  }
0x27: {  	[sflag:s9] =	ssyncadd.s32 $0xFFFFFF80  }
0x28: {  	v7 =	vld [tilespmem:$0x10000];
	_ =	sdelay $0x4  }
0x29: {  	[tilespmem:$0x10100] =	vst v7  }
0x2a: {  	v8 =	vld.idx.msk [tilespmem:v0+s11+$0x0], $0xffff;
	_ =	sdelay $0x4  }
0x2b: {  	v7 =	vadd.s32 v7, v8  }
0x2c: {  	[tilespmem:$0x10100] =	vst v7  }
0x2d: {  	v8 =	vld.idx.msk [tilespmem:v1+s11+$0x0], $0xffff;
	_ =	sdelay $0x4  }
0x2e: {  	v7 =	vadd.s32 v7, v8  }
0x2f: {  	[tilespmem:$0x10100] =	vst v7  }
0x30: {  	v8 =	vld.idx.msk [tilespmem:v2+s11+$0x0], $0xffff;
	_ =	sdelay $0x4  }
0x31: {  	v7 =	vadd.s32 v7, v8  }
0x32: {  	[tilespmem:$0x10100] =	vst v7  }
0x33: {  	v8 =	vld.idx.msk [tilespmem:v3+s11+$0x0], $0xffff;
	_ =	sdelay $0x4  }
0x34: {  	v7 =	vadd.s32 v7, v8  }
0x35: {  	v8 =	vimm.f32 $0.0e+00;
	vm0 =	vgt.s32 v7, $0x7FFF  }
0x36: {  	v9 =	vsel vm0, $0x3F800000, v8  }
0x37: {  	(xrf0) =	vmin.scan.msk.f32 $0xffff, v9;
	_ =	sdelay $0x5  }
0x38: {  	v9, _, _ =	vpop (xrf0)  }
0x39: {  	(v2sf) =	vpush v9, $0xF;
	_ =	sdelay $0xe  }
0x3a: {  	s15 =	spop (v2sf)  }
0x3b: {  	p0 =	sgt.f32 s15, $0.0e+00  }
.Ltmp2:
0x3c: {  	_ = 	snop;
	(pc) =	sbr.rel @!p0 .LBB2_5-.Ltmp2, $1  }
0x3d: {  	_ =	sdelay $0x3  }
0x3e: {  	s15 =	sand.u32 $0x1FE00, s2  }
0x3f: {  	s16 =	sand.u32 $0x70, s2;
	s15 =	sshrl.u32 s15, $0x2  }
0x40: {  	s16 =	sor.u32 s16, s15  }
0x41: {  	v7 =	vld [tilespmem:s16+$0x8000];
	_ =	sdelay $0x1  }
0x42: {  	s15 =	sadd.s32 $0x40, s2;
	s16 =	sadd.s32 $0x10, s2  }
.LBB2_3:
0x43: {  	s17 =	sand.u32 $0x1FE00, s15;
	p0 =	seq.s32 s15, $0x1FFC0;
	s15 =	sadd.s32 $0x40, s15  }
.Ltmp3:
0x44: {  	s18 =	sand.u32 $0x70, s16;
	s17 =	sshrl.u32 s17, $0x2;
	(pc) =	sbr.rel @!p0 .LBB2_3-.Ltmp3, $3  }
0x45: {  	s17 =	sor.u32 s18, s17;
	v9 =	vmax.f32 v7, $0.0e+00  }
0x46: {  	v7 =	vld [tilespmem:s17+$0x8000];
	v8 =	vadd.f32 v9, v8;
	_ =	sdelay $0x1  }
0x47: {  	s16 =	sadd.s32 $0x10, s16  }
.Ltmp4:
0x48: {  	(pc) =	sbr.rel .LBB2_20-.Ltmp4, $3  }
0x49: {  	_ =	sdelay $0x1  }
0x4a: {  	v7 =	vmax.f32 v7, $0.0e+00  }
0x4b: {  	v7 =	vadd.f32 v7, v8  }
.LBB2_5:
0x4c: {  	s15 =	simm.s32 $0x0  }
0x4d: {  	[tilespmem:s15], [sflag:$0x1] =	stream.linear.gather [hbm4b:s5+s15], $0x8000, $0x38;
	[tilespmem:$0x10200] =	vst v63  }
0x4e: {  	_ =	swait.ge [sflag:s9], $0x8000  }
0x4f: {  	[sflag:s9] =	ssyncset.done $0x0  }
0x50: {  	v8 =	vimm.s32 $0x0;
	s16 =	simm.s32 $0x0;
	[sflag:s9] =	ssyncadd.s32 $0xFFFF8000  }
.LBB2_6:
0x51: {  	s17 =	ssub.s32 $0x1E, s16;
	s31 =	sand.u32 $0x1FE00, s15  }
0x52: {  	s18 =	sand.u32 $0x70, s15;
	v9 =	vshll.u32 v4, s17;
	s17 =	sshrl.u32 s31, $0x2  }
0x53: {  	s18 =	sor.u32 s18, s17  }
0x54: {  	v9 =	vbroadcast v9, $0x0;
	v11 =	vld [tilespmem:s18+$0x0];
	_ =	sdelay $0x1  }
0x55: {  	v10 =	vimm.s32 $0x0;
	s17 =	simm.s32 $0x40;
	s18 =	simm.s32 $0x10;
	v9 =	vor.u32 v8, v9  }
.LBB2_7:
0x56: {  	s19 =	sand.u32 $0x1FE00, s17;
	p0 =	sne.s32 s17, $0x1FFC0;
	s17 =	sadd.s32 $0x40, s17  }
.Ltmp5:
0x57: {  	s20 =	sand.u32 $0x70, s18;
	s19 =	sshrl.u32 s19, $0x2;
	(pc) =	sbr.rel @p0 .LBB2_7-.Ltmp5, $4  }
0x58: {  	s19 =	sor.u32 s20, s19;
	vm0 =	vge.s32 v11, v9  }
0x59: {  	v11 =	vld [tilespmem:s19+$0x0];
	v12 =	vsel vm0, $0x1, v5  }
0x5a: {  	v10 =	vadd.s32 v12, v10  }
0x5b: {  	s18 =	sadd.s32 $0x10, s18  }
0x5c: {  	_ =	sdelay $0x1  }
0x5d: {  	vm0 =	vge.s32 v11, v9  }
0x5e: {  	v11 =	vsel vm0, $0x1, v5  }
0x5f: {  	v10 =	vadd.s32 v11, v10  }
0x60: {  	[tilespmem:$0x10100] =	vst v10  }
0x61: {  	v11 =	vld.idx.msk [tilespmem:v0+s11+$0x0], $0xffff;
	_ =	sdelay $0x4  }
0x62: {  	v10 =	vadd.s32 v10, v11  }
0x63: {  	[tilespmem:$0x10100] =	vst v10  }
0x64: {  	v11 =	vld.idx.msk [tilespmem:v1+s11+$0x0], $0xffff;
	_ =	sdelay $0x4  }
0x65: {  	v10 =	vadd.s32 v10, v11  }
0x66: {  	[tilespmem:$0x10100] =	vst v10  }
0x67: {  	v11 =	vld.idx.msk [tilespmem:v2+s11+$0x0], $0xffff;
	_ =	sdelay $0x4  }
0x68: {  	v10 =	vadd.s32 v10, v11  }
0x69: {  	[tilespmem:$0x10100] =	vst v10  }
0x6a: {  	v11 =	vld.idx.msk [tilespmem:v3+s11+$0x0], $0xffff  }
0x6b: {  	s16 =	sadd.s32 $0x1, s16  }
0x6c: {  	p0 =	sne.s32 s16, $0x1F  }
.Ltmp6:
0x6d: {  	_ = 	snop;
	(pc) =	sbr.rel @p0 .LBB2_6-.Ltmp6, $4  }
0x6e: {  	_ = 	snop  }
0x6f: {  	v10 =	vadd.s32 v10, v11  }
0x70: {  	vm15 =	vlt.s32 v10, v7  }
0x71: {  	v8 =	vsel vm15, v8, v9  }
0x72: {  	s15 =	simm.s32 $0x0  }
0x73: {  	s16 =	sand.u32 $0x1FE00, s15  }
0x74: {  	s15 =	sand.u32 $0x70, s15;
	s16 =	sshrl.u32 s16, $0x2  }
0x75: {  	s16 =	sor.u32 s15, s16  }
0x76: {  	v10 =	vld [tilespmem:s16+$0x0];
	_ =	sdelay $0x1  }
0x77: {  	v9 =	vimm.s32 $0x0;
	s15 =	simm.s32 $0x40;
	s16 =	simm.s32 $0x10  }
.LBB2_10:
0x78: {  	s17 =	sand.u32 $0x1FE00, s15;
	p0 =	sne.s32 s15, $0x1FFC0;
	s15 =	sadd.s32 $0x40, s15  }
.Ltmp7:
0x79: {  	s18 =	sand.u32 $0x70, s16;
	s17 =	sshrl.u32 s17, $0x2;
	(pc) =	sbr.rel @p0 .LBB2_10-.Ltmp7, $4  }
0x7a: {  	s17 =	sor.u32 s18, s17;
	vm0 =	vge.s32 v10, v8  }
0x7b: {  	v10 =	vld [tilespmem:s17+$0x0];
	v11 =	vsel vm0, $0x1, v5  }
0x7c: {  	v9 =	vadd.s32 v11, v9  }
0x7d: {  	s16 =	sadd.s32 $0x10, s16  }
0x7e: {  	_ =	sdelay $0x1  }
0x7f: {  	vm0 =	vge.s32 v10, v8  }
0x80: {  	v10 =	vsel vm0, $0x1, v5  }
0x81: {  	v9 =	vadd.s32 v10, v9  }
0x82: {  	[tilespmem:$0x10100] =	vst v9  }
0x83: {  	v10 =	vld.idx.msk [tilespmem:v0+s11+$0x0], $0xffff;
	_ =	sdelay $0x4  }
0x84: {  	v9 =	vadd.s32 v9, v10  }
0x85: {  	[tilespmem:$0x10100] =	vst v9  }
0x86: {  	v10 =	vld.idx.msk [tilespmem:v1+s11+$0x0], $0xffff;
	_ =	sdelay $0x4  }
0x87: {  	v9 =	vadd.s32 v9, v10  }
0x88: {  	[tilespmem:$0x10100] =	vst v9  }
0x89: {  	v10 =	vld.idx.msk [tilespmem:v2+s11+$0x0], $0xffff;
	_ =	sdelay $0x4  }
0x8a: {  	v9 =	vadd.s32 v9, v10  }
0x8b: {  	[tilespmem:$0x10100] =	vst v9  }
0x8c: {  	v10 =	vld.idx.msk [tilespmem:v3+s11+$0x0], $0xffff  }
0x8d: {  	s15 =	simm.s32 $0x0  }
0x8e: {  	s16 =	sand.u32 $0x1FE00, s15  }
0x8f: {  	s15 =	sand.u32 $0x70, s15;
	s16 =	sshrl.u32 s16, $0x2  }
0x90: {  	s16 =	sor.u32 s15, s16  }
0x91: {  	v9 =	vadd.s32 v9, v10;
	v10 =	vld [tilespmem:s16+$0x0]  }
0x92: {  	vm15 =	vlt.s32 v9, v7  }
0x93: {  	s15 =	simm.s32 $0x40;
	s16 =	simm.s32 $0x10;
	v9 =	vimm.s32 $0x0;
	v8 =	vsel vm15, $0xFFFFFFFF, v8  }
.LBB2_12:
0x94: {  	s17 =	sand.u32 $0x1FE00, s15;
	p0 =	sne.s32 s15, $0x1FFC0;
	s15 =	sadd.s32 $0x40, s15  }
.Ltmp8:
0x95: {  	s18 =	sand.u32 $0x70, s16;
	s17 =	sshrl.u32 s17, $0x2;
	(pc) =	sbr.rel @p0 .LBB2_12-.Ltmp8, $4  }
0x96: {  	s17 =	sor.u32 s18, s17;
	vm0 =	vgt.s32 v10, v8  }
0x97: {  	v10 =	vld [tilespmem:s17+$0x0];
	v11 =	vsel vm0, $0x1, v5  }
0x98: {  	v9 =	vadd.s32 v11, v9  }
0x99: {  	s16 =	sadd.s32 $0x10, s16  }
0x9a: {  	_ =	sdelay $0x1  }
0x9b: {  	vm0 =	vgt.s32 v10, v8  }
0x9c: {  	v10 =	vsel vm0, $0x1, v5  }
0x9d: {  	v9 =	vadd.s32 v10, v9  }
0x9e: {  	[tilespmem:$0x10100] =	vst v9  }
0x9f: {  	v10 =	vld.idx.msk [tilespmem:v0+s11+$0x0], $0xffff;
	_ =	sdelay $0x4  }
0xa0: {  	v9 =	vadd.s32 v9, v10  }
0xa1: {  	[tilespmem:$0x10100] =	vst v9  }
0xa2: {  	v10 =	vld.idx.msk [tilespmem:v1+s11+$0x0], $0xffff;
	_ =	sdelay $0x4  }
0xa3: {  	v9 =	vadd.s32 v9, v10  }
0xa4: {  	[tilespmem:$0x10100] =	vst v9  }
0xa5: {  	v10 =	vld.idx.msk [tilespmem:v2+s11+$0x0], $0xffff;
	_ =	sdelay $0x4  }
0xa6: {  	v9 =	vadd.s32 v9, v10  }
0xa7: {  	[tilespmem:$0x10100] =	vst v9  }
0xa8: {  	v10 =	vld.idx.msk [tilespmem:v3+s11+$0x0], $0xffff;
	_ =	sdelay $0x4  }
0xa9: {  	v9 =	vadd.s32 v10, v9  }
0xaa: {  	s15 =	simm.s32 $0x0;
	s16 =	simm.s32 $0x0;
	v7 =	vsub.s32 v7, v9;
	v9 =	vimm.s32 $0x0  }
.LBB2_14:
0xab: {  	s17 =	ssub.s32 $0x10, s16;
	s31 =	sand.u32 $0x1FE00, s15  }
0xac: {  	s18 =	sand.u32 $0x70, s15;
	v10 =	vshll.u32 v4, s17;
	s17 =	sshrl.u32 s31, $0x2  }
0xad: {  	s18 =	sor.u32 s18, s17  }
0xae: {  	v10 =	vbroadcast v10, $0x0;
	v12 =	vld [tilespmem:s18+$0x0];
	_ =	sdelay $0x1  }
0xaf: {  	s19 =	simm.s32 $0x0;
	v11 =	vimm.s32 $0x0;
	s17 =	simm.s32 $0x40;
	s18 =	simm.s32 $0x10;
	v10 =	vor.u32 v9, v10  }
.LBB2_15:
0xb0: {  	s20 =	sand.u32 $0x1FE00, s17;
	p0 =	sne.s32 s17, $0x1FFC0;
	s17 =	sadd.s32 $0x40, s17  }
.Ltmp9:
0xb1: {  	s21 =	sand.u32 $0x70, s18;
	v13 =	vor.u32 s19, v6;
	s20 =	sshrl.u32 s20, $0x2;
	(pc) =	sbr.rel @p0 .LBB2_15-.Ltmp9, $4  }
0xb2: {  	s19 =	smov.u32 s18;
	vm1 =	vlt.s32 v13, v10;
	s20 =	sor.u32 s21, s20;
	vm0 =	veq.s32 v12, v8  }
0xb3: {  	v12 =	vld [tilespmem:s20+$0x0];
	vm0 =	vmand vm1, vm0  }
0xb4: {  	v13 =	vsel vm0, $0x1, v5  }
0xb5: {  	s18 =	sadd.s32 $0x10, s18;
	v11 =	vadd.s32 v13, v11  }
0xb6: {  	_ = 	snop  }
0xb7: {  	v13 =	vor.u32 s19, v6  }
0xb8: {  	vm1 =	vlt.s32 v13, v10;
	vm0 =	veq.s32 v12, v8  }
0xb9: {  	vm0 =	vmand vm1, vm0  }
0xba: {  	v59 =	vsel vm0, $0x1, v5  }
0xbb: {  	v11 =	vadd.s32 v59, v11  }
0xbc: {  	[tilespmem:$0x10100] =	vst v11  }
0xbd: {  	v60 =	vld.idx.msk [tilespmem:v0+s11+$0x0], $0xffff;
	_ =	sdelay $0x4  }
0xbe: {  	v11 =	vadd.s32 v11, v60  }
0xbf: {  	[tilespmem:$0x10100] =	vst v11  }
0xc0: {  	v61 =	vld.idx.msk [tilespmem:v1+s11+$0x0], $0xffff;
	_ =	sdelay $0x4  }
0xc1: {  	v11 =	vadd.s32 v11, v61  }
0xc2: {  	[tilespmem:$0x10100] =	vst v11  }
0xc3: {  	v62 =	vld.idx.msk [tilespmem:v2+s11+$0x0], $0xffff;
	_ =	sdelay $0x4  }
0xc4: {  	v11 =	vadd.s32 v11, v62  }
0xc5: {  	[tilespmem:$0x10100] =	vst v11  }
0xc6: {  	v63 =	vld.idx.msk [tilespmem:v3+s11+$0x0], $0xffff  }
0xc7: {  	s16 =	sadd.s32 $0x1, s16  }
0xc8: {  	p0 =	sne.s32 s16, $0x11  }
.Ltmp10:
0xc9: {  	_ = 	snop;
	(pc) =	sbr.rel @p0 .LBB2_14-.Ltmp10, $4  }
0xca: {  	_ = 	snop  }
0xcb: {  	v11 =	vadd.s32 v11, v63  }
0xcc: {  	vm15 =	vlt.s32 v11, v7  }
0xcd: {  	v9 =	vsel vm15, v10, v9  }
0xce: {  	s15 =	simm.s32 $0x0  }
0xcf: {  	v10 =	vld [tilespmem:s15+$0x0]  }
0xd0: {  	v9 =	vadd.s32 $0x1, v9;
	v11 =	vor.u32 s15, v6;
	s15 =	simm.s32 $0x8000  }
0xd1: {  	vm2 =	vgt.s32 v9, v11;
	v11 =	vld [tilespmem:s15+$0x0];
	_ =	sdelay $0x1  }
0xd2: {  	vm0 =	vgt.s32 v7, $0x0  }
0xd3: {  	v7 =	vimm.f32 $0.0e+00;
	s16 =	simm.s32 $0x10;
	s17 =	simm.s32 $0x10;
	vm2 =	vmand vm0, vm2;
	vm1 =	veq.s32 v10, v8  }
.LBB2_18:
0xd4: {  	p0 =	sne.s32 s16, $0x7FF0;
	vm3 =	vgt.s32 v10, v8;
	v10 =	vld [tilespmem:s17+$0x0];
	vm1 =	vmand vm2, vm1;
	s18 =	smov.u32 s16;
	s16 =	sadd.s32 $0x10, s16  }
.Ltmp11:
0xd5: {  	s15 =	sadd.s32 $0x10, s15;
	vm1 =	vmor vm3, vm1;
	v12 =	vmax.f32 v11, $0.0e+00;
	(pc) =	sbr.rel @p0 .LBB2_18-.Ltmp11, $4  }
0xd6: {  	v11 =	vld [tilespmem:s15+$0x0];
	v12 =	vnsel vm1, $0x0, v12  }
0xd7: {  	v13 =	vor.u32 s18, v6;
	v7 =	vadd.f32 v12, v7  }
0xd8: {  	vm2 =	vgt.s32 v9, v13  }
0xd9: {  	s17 =	sadd.s32 $0x10, s17;
	vm2 =	vmand vm0, vm2;
	vm1 =	veq.s32 v10, v8  }
.Ltmp12:
0xda: {  	(pc) =	sbr.rel .LBB2_20-.Ltmp12, $4  }
0xdb: {  	vm0 =	vgt.s32 v10, v8;
	vm1 =	vmand vm2, vm1  }
0xdc: {  	vm0 =	vmor vm0, vm1;
	v8 =	vmax.f32 v11, $0.0e+00  }
0xdd: {  	v8 =	vnsel vm0, $0x0, v8  }
0xde: {  	v7 =	vadd.f32 v8, v7  }
.LBB2_21:
0xdf: {  	_ =	sfence.sel $0x180000  }
0xe0: {  	[bflag:$0x0] =	sbarrier.arrive $0xFFFF  }
0xe1: {  	p0 =	sne.s32 s1, $0x0;
	_ =	strace $0x90000047  }
0xe2: {  	s0 =	sadd.s32 @!p0 $0x100000, s0;
	[bflag:$0x2] =	sbarrier.arrive $0xFFFF  }
0xe3: {  	[sflag:s0] =	ssyncadd.tile.s32 @!p0 $0x1;
	_ =	shalt  }
.Lfunc_end2:
_tile_overlayer_lowered:
.L_overlay_start_2:
0xe4: {  	(tag) =	ssettag $0x2  }
0xe5: {  	s0 =	rddreg [dreg:$0x0];
	s2 =	stileid.u32  }
0xe6: {  	s1 =	rddreg [dreg:$0x1];
	p0 =	sne.s32 s2, $0x0  }
0xe7: {  	s3 =	rddreg [dreg:$0x2];
	[bflag:$0x3] =	sbarrier.arrive $0xFFFF;
	s2 =	simm.s32 @!p0 $0x1C01  }
0xe8: {  	[timem:s3], [sflag:s2] =	dma.local @!p0 [hbm:s0], s1  }
0xe9: {  	s0 =	simm.s32 @!p0 $0x1  }
0xea: {  	_ =	swait.ge @!p0 [sflag:s0], s1  }
0xeb: {  	s1 =	ssub.s32 @!p0 $0x0, s1;
	[sflag:s0] =	ssyncset.done @!p0 $0x0  }
0xec: {  	[sflag:s0] =	ssyncadd.s32 @!p0 s1  }
0xed: {  	[bflag:$0x3] =	sbarrier.arrive $0xFFFF  }
0xee: {  	_ =	shalt  }

</sc_bundles>
